<compile_context>
chip_gen: v7x
topology: tpu7x:2x2x1
jax: 0.10.2.dev20260603
libtpu: 0.0.44.dev20260713+nightly
codegen_flags: <defaults>
</compile_context>

<pallas_src>
import functools

import jax
import jax.numpy as jnp
from jax import lax
from jax.experimental import pallas as pl
from jax.experimental.pallas import tpu as pltpu
from jax.experimental.pallas import tpu_sc as plsc

_K = 5
_SPACE = 3
_BIG = float(1e10)
_HUGE = float(3e38)
_IBIG = 2**31 - 1

_RK = 256
_CT = 512
_RD = 512
_CH = 80
_NW = 32


def _knn(tlo, thi, pos_r, posT, batch_r, batch_c, Np):
    nb = Np // _RK

    def body(tlo_ref, thi_ref, posr_ref, posT_ref, br_ref, bc_ref, out_ref):
        i = pl.program_id(0)
        rpos = posr_ref[...]
        rsq = jnp.sum(rpos * rpos, axis=1, keepdims=True)
        rb = br_ref[:, 0:1]
        rid = i * _RK + lax.broadcasted_iota(jnp.int32, (_RK, 1), 0)

        ciota = lax.broadcasted_iota(jnp.int32, (_RK, _CT), 1
                                     ).astype(jnp.float32)
        ridf = rid.astype(jnp.float32)

        def tile_extract(ct):
            c0 = ct * _CT
            c0f = lax.convert_element_type(c0, jnp.float32)
            cpos = posT_ref[:, pl.ds(c0, _CT)]
            csq = jnp.sum(cpos * cpos, axis=0, keepdims=True)
            dot = lax.dot_general(rpos, cpos, (((1,), (0,)), ((), ())),
                                  preferred_element_type=jnp.float32)
            dt = (rsq + csq) - 2.0 * dot
            cb = bc_ref[0:1, pl.ds(c0, _CT)]
            valid = (rb == cb) & (ridf - c0f != ciota)
            dt = jnp.where(valid, dt, _BIG)
            tv, ti = [], []
            for _ in range(_K):
                mv = jnp.min(dt, axis=1, keepdims=True)
                mil = jnp.min(jnp.where(dt == mv, ciota, _HUGE), axis=1,
                              keepdims=True)
                dt = jnp.where(ciota == mil, _HUGE, dt)
                tv.append(mv)
                ti.append(mil + c0f)
            return tv, ti

        def tile(ct, carry):
            bv, bi = carry
            tv, ti = tile_extract(ct)
            cv = jnp.concatenate([bv[:, :_K]] + tv, axis=1)
            ci = jnp.concatenate([bi[:, :_K]] + ti, axis=1)
            nv, ni = [], []
            for _ in range(_K):
                mv = jnp.min(cv, axis=1, keepdims=True)
                mi = jnp.min(jnp.where(cv == mv, ci, _HUGE), axis=1,
                             keepdims=True)
                cv = jnp.where((cv == mv) & (ci == mi), _HUGE, cv)
                nv.append(mv)
                ni.append(mi)
            pad = jnp.full((_RK, 8 - _K), _HUGE, jnp.float32)
            return (jnp.concatenate(nv + [pad], axis=1),
                    jnp.concatenate(ni + [pad], axis=1))

        lo = tlo_ref[i]
        tv0, ti0 = tile_extract(lo)
        pad = jnp.full((_RK, 8 - _K), _HUGE, jnp.float32)
        bv0 = jnp.concatenate(tv0 + [pad], axis=1)
        bi0 = jnp.concatenate(ti0 + [pad], axis=1)
        _, bi = lax.fori_loop(lo + 1, thi_ref[i], tile, (bv0, bi0))
        out_ref[...] = jnp.minimum(bi, float(Np - 1)).astype(jnp.int32)

    return pl.pallas_call(
        body,
        grid=(nb,),
        in_specs=[
            pl.BlockSpec(memory_space=pltpu.SMEM),
            pl.BlockSpec(memory_space=pltpu.SMEM),
            pl.BlockSpec((_RK, 8), lambda i: (i, 0)),
            pl.BlockSpec((8, Np), lambda i: (0, 0)),
            pl.BlockSpec((_RK, 8), lambda i: (i, 0)),
            pl.BlockSpec((8, Np), lambda i: (0, 0)),
        ],
        out_specs=pl.BlockSpec((_RK, 8), lambda i: (i, 0)),
        out_shape=jax.ShapeDtypeStruct((Np, 8), jnp.int32),
        compiler_params=pltpu.CompilerParams(
            dimension_semantics=("arbitrary",)),
    )(tlo, thi, pos_r, posT, batch_r, batch_c)


def _sc_aggregate(h_pad, nbr_flat):
    Np, D = h_pad.shape
    rows = Np // _NW
    nch = rows // _CH
    mesh = plsc.VectorSubcoreMesh(core_axis_name="c", subcore_axis_name="s")

    @functools.partial(
        pl.kernel,
        mesh=mesh,
        out_type=jax.ShapeDtypeStruct((Np, D), jnp.float32),
        scratch_types=[
            pltpu.VMEM((_K * rows,), jnp.int32),
            pltpu.VMEM((rows, D), jnp.float32),
            pltpu.SemaphoreType.DMA,
        ],
    )
    def k(h_hbm, idx_hbm, out_hbm, idx_v, m_v, sem):
        wid = lax.axis_index("s") * 2 + lax.axis_index("c")
        base = wid * rows
        pltpu.sync_copy(idx_hbm.at[pl.ds(wid * (_K * rows), _K * rows)],
                        idx_v)

        def chunk(c, _):
            cbase = c * _CH
            dst = m_v.at[pl.ds(cbase, _CH)]
            pltpu.async_copy(
                h_hbm.at[idx_v.at[pl.ds(cbase, _CH)]], dst, sem).wait()
            cps = [
                pltpu.async_copy(
                    h_hbm.at[idx_v.at[pl.ds(kk * rows + cbase, _CH)]],
                    dst, sem, add=True)
                for kk in range(1, _K)
            ]
            for cp in cps:
                cp.wait()
            return 0

        lax.fori_loop(0, nch, chunk, 0)
        pltpu.sync_copy(m_v, out_hbm.at[pl.ds(base, rows)])

    return k(h_pad, nbr_flat)


def _bn_cols(y, mk, inv_n):
    ym = y * mk
    mu = jnp.sum(ym, axis=0, keepdims=True) * inv_n
    ex2 = jnp.sum(ym * y, axis=0, keepdims=True) * inv_n
    var = ex2 - mu * mu
    return mu, lax.rsqrt(var + 1e-5)


def _gin_block(h, m, e, oh, cond, w1m, w1t, g1, b1, w2, mk, inv_n):
    z = (1.0 + e) * h + m
    cw = jnp.dot(cond, w1t, preferred_element_type=jnp.float32)
    y = (jnp.dot(z, w1m, preferred_element_type=jnp.float32)
         + jnp.dot(oh, cw, preferred_element_type=jnp.float32))
    mu, rstd = _bn_cols(y, mk, inv_n)
    u = jnp.maximum((y - mu) * rstd * g1 + b1, 0.0)
    return jnp.dot(u, w2, preferred_element_type=jnp.float32)


def _dense_chain1(xp, m1, batch_r, cond_p, w1m, w1t, eps,
                  g1, b1, w2, g2, b2, n_real):
    Np, D = xp.shape
    G = cond_p.shape[0]
    inv_n = 1.0 / n_real

    def body(eps_ref, x_ref, m_ref, br_ref, c_ref, w1m_ref, w1t_ref,
             g1_ref, b1_ref, w2_ref, g2_ref, b2_ref, h1_ref):
        e = eps_ref[0, 0]
        mk = (lax.broadcasted_iota(jnp.int32, (Np, 1), 0)
              < n_real).astype(jnp.float32)
        oh = (br_ref[:, 0:1] == lax.broadcasted_iota(jnp.int32, (1, G), 1)
              ).astype(jnp.float32)
        y2 = _gin_block(x_ref[...], m_ref[...], e, oh, c_ref[...],
                        w1m_ref[...], w1t_ref[...], g1_ref[...], b1_ref[...],
                        w2_ref[...], mk, inv_n)
        mu2, rstd2 = _bn_cols(y2, mk, inv_n)
        h1_ref[...] = jnp.maximum(
            (y2 - mu2) * rstd2 * g2_ref[...] + b2_ref[...], 0.0)

    return pl.pallas_call(
        body,
        in_specs=[pl.BlockSpec(memory_space=pltpu.SMEM)] + [pl.BlockSpec()] * 11,
        out_specs=pl.BlockSpec(),
        out_shape=jax.ShapeDtypeStruct((Np, D), jnp.float32),
    )(eps, xp, m1, batch_r, cond_p, w1m, w1t, g1, b1, w2, g2, b2)


def _dense_chain2(h1, m2, batch_r, cond_p, w1m, w1t, eps,
                  g1, b1, w2, g2, b2,
                  w1p, b1p, gp, bp, w2p, b2o, n_real):
    Np, D = h1.shape
    G = cond_p.shape[0]
    inv_n = 1.0 / n_real

    def body(eps_ref, h1_ref, m_ref, br_ref, c_ref, w1m_ref, w1t_ref,
             g1_ref, b1_ref, w2_ref, g2_ref, b2_ref,
             w1p_ref, b1p_ref, gp_ref, bp_ref, w2p_ref, b2o_ref, out_ref):
        e = eps_ref[0, 0]
        mk = (lax.broadcasted_iota(jnp.int32, (Np, 1), 0)
              < n_real).astype(jnp.float32)
        oh = (br_ref[:, 0:1] == lax.broadcasted_iota(jnp.int32, (1, G), 1)
              ).astype(jnp.float32)
        h1v = h1_ref[...]
        y2 = _gin_block(h1v, m_ref[...], e, oh, c_ref[...],
                        w1m_ref[...], w1t_ref[...], g1_ref[...], b1_ref[...],
                        w2_ref[...], mk, inv_n)
        mu2, rstd2 = _bn_cols(y2, mk, inv_n)
        h2 = h1v + jnp.maximum(
            (y2 - mu2) * rstd2 * g2_ref[...] + b2_ref[...], 0.0)
        y3 = (jnp.dot(h2, w1p_ref[...], preferred_element_type=jnp.float32)
              + b1p_ref[...])
        mu3, rstd3 = _bn_cols(y3, mk, inv_n)
        o = jnp.maximum((y3 - mu3) * rstd3 * gp_ref[...] + bp_ref[...], 0.0)
        out_ref[...] = (jnp.dot(o, w2p_ref[...],
                                preferred_element_type=jnp.float32)
                        + b2o_ref[...])

    return pl.pallas_call(
        body,
        in_specs=[pl.BlockSpec(memory_space=pltpu.SMEM)] + [pl.BlockSpec()] * 17,
        out_specs=pl.BlockSpec(),
        out_shape=jax.ShapeDtypeStruct((Np, D), jnp.float32),
    )(eps, h1, m2, batch_r, cond_p, w1m, w1t, g1, b1, w2, g2, b2,
      w1p, b1p, gp, bp, w2p, b2o)


def kernel(x, batch, condition,
           gin1_eps, gin1_W1, gin1_bn1_g, gin1_bn1_b, gin1_W2, gin1_bn2_g,
           gin1_bn2_b,
           gin2_eps, gin2_W1, gin2_bn1_g, gin2_bn1_b, gin2_W2, gin2_bn2_g,
           gin2_bn2_b,
           out_W1, out_b1, out_bn_g, out_bn_b, out_W2, out_b2):
    N, Fin = x.shape
    G, C = condition.shape
    L = gin1_W2.shape[0]
    H = out_W1.shape[1]
    Fout = out_W2.shape[1]
    Np = ((N + 2047) // 2048) * 2048
    padn = Np - N

    xp = jnp.pad(x, ((0, padn), (0, 0)))
    batchp = jnp.pad(batch.astype(jnp.int32), (0, padn), constant_values=G)
    pos_r = jnp.pad(x[:, :_SPACE], ((0, padn), (0, 8 - _SPACE)))
    posT = pos_r.T
    batch_r = jnp.broadcast_to(batchp[:, None], (Np, 8))
    batch_c = jnp.broadcast_to(batchp[None, :], (8, Np))

    bl = batchp.reshape(Np // _RK, _RK)
    c_lo = jnp.searchsorted(batchp, bl[:, 0], side='left').astype(jnp.int32)
    c_hi = jnp.searchsorted(batchp, bl[:, -1], side='right').astype(jnp.int32)
    tlo = c_lo // _CT
    thi = (c_hi + _CT - 1) // _CT

    nbr8 = _knn(tlo, thi, pos_r, posT, batch_r, batch_c, Np)
    rows_w = Np // _NW
    nbr_km = (nbr8[:, :_K].reshape(_NW, rows_w, _K)
              .transpose(0, 2, 1).reshape(-1))

    cond_p = jnp.pad(condition, ((0, 0), (0, 8 - C)))
    e1 = jnp.reshape(gin1_eps, (1, 1))
    e2 = jnp.reshape(gin2_eps, (1, 1))
    w1m_a = gin1_W1[:Fin]
    w1t_a = jnp.pad(gin1_W1[Fin:], ((0, 8 - C), (0, 0)))
    w1m_b = gin2_W1[:L]
    w1t_b = jnp.pad(gin2_W1[L:], ((0, 8 - C), (0, 0)))

    def row(v):
        return jnp.reshape(v, (1, -1))

    m1 = _sc_aggregate(xp, nbr_km)
    h1 = _dense_chain1(xp, m1, batch_r, cond_p, w1m_a, w1t_a, e1,
                       row(gin1_bn1_g), row(gin1_bn1_b), gin1_W2,
                       row(gin1_bn2_g), row(gin1_bn2_b), N)

    m2 = _sc_aggregate(h1, nbr_km)
    w1p = jnp.pad(out_W1, ((0, 0), (0, L - H)))
    b1p = row(jnp.pad(out_b1, (0, L - H)))
    gp = row(jnp.pad(out_bn_g, (0, L - H)))
    bp = row(jnp.pad(out_bn_b, (0, L - H)))
    w2p = jnp.pad(out_W2, ((0, L - H), (0, 0)))
    out = _dense_chain2(h1, m2, batch_r, cond_p, w1m_b, w1t_b, e2,
                        row(gin2_bn1_g), row(gin2_bn1_b), gin2_W2,
                        row(gin2_bn2_g), row(gin2_bn2_b),
                        w1p, b1p, gp, bp, w2p, row(out_b2), N)
    return out[:N]

# --- scband reference (transcript-rebuilt; emitter-appended) ---
"""Pipeline reference for scband-embedding-14181982011742 (READ-ONLY COPY).

The authoritative reference and input builder live on the scoring server;
editing this copy changes nothing except your own understanding.
"""

import jax, jax.numpy as jnp
import numpy as np

N = 10000
K = 5
N_FTX_IN = 128
N_FTX_OUT = 128
N_FTX_SPACE = 3
N_FTX_LATENT = 128
N_COND = 5
N_GRAPHS = 16
HID_OUT = 40


def _bn(h, g, b):
    mu = jnp.mean(h, axis=0)
    var = jnp.var(h, axis=0)
    return (h - mu) / jnp.sqrt(var + 1e-5) * g + b


def setup_inputs(seed: int = 0) -> dict:
    key = jax.random.key(seed)
    ks = jax.random.split(key, 12)
    x = jax.random.normal(ks[0], (N, N_FTX_IN), dtype=jnp.float32)
    batch = jnp.sort(jax.random.randint(ks[1], (N,), 0, N_GRAPHS)).astype(jnp.int32)
    condition = jax.random.normal(ks[2], (N_GRAPHS, N_COND), dtype=jnp.float32)
    d1 = N_FTX_IN + N_COND
    d2 = N_FTX_LATENT + N_COND
    L = N_FTX_LATENT

    def w(k, shape, fan):
        return jax.random.normal(k, shape, dtype=jnp.float32) * (1.0 / np.sqrt(fan))

    inp = {
        'x': x,
        'batch': batch,
        'condition': condition,
        'gin1_eps': jnp.zeros((), jnp.float32),
        'gin1_W1': w(ks[3], (d1, L), d1),
        'gin1_bn1_g': jnp.ones((L,), jnp.float32),
        'gin1_bn1_b': jnp.zeros((L,), jnp.float32),
        'gin1_W2': w(ks[4], (L, L), L),
        'gin1_bn2_g': jnp.ones((L,), jnp.float32),
        'gin1_bn2_b': jnp.zeros((L,), jnp.float32),
        'gin2_eps': jnp.zeros((), jnp.float32),
        'gin2_W1': w(ks[5], (d2, L), d2),
        'gin2_bn1_g': jnp.ones((L,), jnp.float32),
        'gin2_bn1_b': jnp.zeros((L,), jnp.float32),
        'gin2_W2': w(ks[6], (L, L), L),
        'gin2_bn2_g': jnp.ones((L,), jnp.float32),
        'gin2_bn2_b': jnp.zeros((L,), jnp.float32),
        'out_W1': w(ks[7], (L, HID_OUT), L),
        'out_b1': jnp.zeros((HID_OUT,), jnp.float32),
        'out_bn_g': jnp.ones((HID_OUT,), jnp.float32),
        'out_bn_b': jnp.zeros((HID_OUT,), jnp.float32),
        'out_W2': w(ks[8], (HID_OUT, N_FTX_OUT), HID_OUT),
        'out_b2': jnp.zeros((N_FTX_OUT,), jnp.float32),
    }
    return inp


def reference(x, batch, condition,
              gin1_eps, gin1_W1, gin1_bn1_g, gin1_bn1_b, gin1_W2, gin1_bn2_g, gin1_bn2_b,
              gin2_eps, gin2_W1, gin2_bn1_g, gin2_bn1_b, gin2_W2, gin2_bn2_g, gin2_bn2_b,
              out_W1, out_b1, out_bn_g, out_bn_b, out_W2, out_b2):
    # knn_graph on first n_ftx_space dims, per-batch, k=5 (non-differentiable, as in torch_cluster)
    pos = jax.lax.stop_gradient(x[:, :N_FTX_SPACE])
    sq = jnp.sum(pos * pos, axis=1)
    dist = sq[:, None] + sq[None, :] - 2.0 * (pos @ pos.T)
    big = jnp.float32(1e10)
    dist = jnp.where(batch[:, None] != batch[None, :], big, dist)
    ar = jnp.arange(N)
    dist = dist.at[ar, ar].set(big)
    _, nbr = jax.lax.top_k(-dist, K)
    src = nbr.reshape(-1)
    dst = jnp.repeat(ar, K)

    c = condition[batch]

    def gin(h, eps, W1, g1, b1, W2, g2, b2):
        # GINConv: MLP((1+eps)*h + sum_{j in N(i)} h_j), conditioned on per-graph cond
        m = jnp.zeros((N, h.shape[1]), h.dtype).at[dst].add(h[src])
        z = (1.0 + eps) * h + m
        z = jnp.concatenate([z, c], axis=1)
        z = jax.nn.relu(_bn(z @ W1, g1, b1))
        z = jax.nn.relu(_bn(z @ W2, g2, b2))
        return z

    h1 = gin(x, gin1_eps, gin1_W1, gin1_bn1_g, gin1_bn1_b, gin1_W2, gin1_bn2_g, gin1_bn2_b)
    h2 = h1 + gin(h1, gin2_eps, gin2_W1, gin2_bn1_g, gin2_bn1_b, gin2_W2, gin2_bn2_g, gin2_bn2_b)

    o = jax.nn.relu(_bn(h2 @ out_W1 + out_b1, out_bn_g, out_bn_b))
    x_emb = o @ out_W2 + out_b2
    return x_emb

if __name__ == "__main__":
    import jax
    _d = setup_inputs()
    print(jax.jit(kernel)(*tuple(_d.values())))

</pallas_src>

<mosaic_0001>
#map = affine_map<(d0, d1) -> (0, 0)>
#map1 = affine_map<(d0, d1) -> (0)>
module attributes {stable_mosaic.version = 14 : i64} {
  func.func @k(%arg0: i32, %arg1: i32, %arg2: memref<10240x128xf32, #tpu.memory_space<hbm>>, %arg3: memref<51200xi32, #tpu.memory_space<hbm>>, %arg4: memref<10240x128xf32, #tpu.memory_space<hbm>>, %arg5: memref<1600xi32, #tpu.memory_space<vmem>>, %arg6: memref<320x128xf32, #tpu.memory_space<vmem>>, %arg7: memref<!tpu.dma_semaphore, #tpu.memory_space<semaphore_mem>>) attributes {dimension_semantics = [#tpu.dimension_semantics<core_parallel>, #tpu.dimension_semantics<subcore_parallel>], iteration_bounds = array<i64: 2, 16>, scalar_prefetch = 0 : i64, scratch_operands = 3 : i64, tpu.core_type = #tpu.core_type<sc_vector_subcore>, window_params = [{transform_indices = #map}, {transform_indices = #map1}, {transform_indices = #map}]} {
    %mul3A = arith.constant 2 : i32
    %mul3A_0 = arith.muli %arg1, %mul3A : i32
    %add3A = arith.addi %mul3A_0, %arg0 : i32
    %mul3A_1 = arith.constant 320 : i32
    %mul3A_2 = arith.muli %add3A, %mul3A_1 : i32
    %mul3A_3 = arith.constant 1600 : i32
    %mul3A_4 = arith.muli %add3A, %mul3A_3 : i32
    "tpu.region"() ({
      %run_scoped3A = tpu.sem_alloc : memref<!tpu.dma_semaphore, #tpu.memory_space<semaphore_mem>>
      %dma_start3A = tpu.memref_slice %arg3[%mul3A_4] : memref<51200xi32, #tpu.memory_space<hbm>> -> memref<1600xi32, #tpu.memory_space<hbm>>
      %dma_start3A_11 = tpu.memref_slice %arg3[%mul3A_4] : memref<51200xi32, #tpu.memory_space<hbm>> -> memref<1600xi32, #tpu.memory_space<hbm>>
      tpu.enqueue_dma source(%dma_start3A_11 : memref<1600xi32, #tpu.memory_space<hbm>>) target(%arg5 : memref<1600xi32, #tpu.memory_space<vmem>>) target_semaphore(%run_scoped3A : memref<!tpu.dma_semaphore, #tpu.memory_space<semaphore_mem>>)
      %dma_wait3A = tpu.memref_slice %arg3[%mul3A_4] : memref<51200xi32, #tpu.memory_space<hbm>> -> memref<1600xi32, #tpu.memory_space<hbm>>
      %dma_wait3A_12 = tpu.memref_slice %arg3[%mul3A_4] : memref<51200xi32, #tpu.memory_space<hbm>> -> memref<1600xi32, #tpu.memory_space<hbm>>
      tpu.wait_dma2 semaphore(%run_scoped3A : memref<!tpu.dma_semaphore, #tpu.memory_space<semaphore_mem>>) src(%dma_wait3A_12 : memref<1600xi32, #tpu.memory_space<hbm>>) dst(%arg5 : memref<1600xi32, #tpu.memory_space<vmem>>)
      tpu.yield
    }) : () -> ()
    %scan3A = arith.constant 0 : i32
    %scan3A_5 = arith.constant 0 : i32
    %scan3A_6 = arith.constant 4 : i32
    %scan3A_7 = arith.addi %scan3A_5, %scan3A_6 : i32
    %scan3A_8 = arith.constant 1 : i32
    %scan3A_9 = scf.for %scan3A_11 = %scan3A_5 to %scan3A_7 step %scan3A_8 iter_args(%scan3A_12 = %scan3A) -> (i32)  : i32 {
      %mul3A_13 = arith.constant 80 : i32
      %mul3A_14 = arith.muli %scan3A_11, %mul3A_13 : i32
      %dma_start3A = arith.constant 0 : i32
      %dma_start3A_15 = tpu.memref_slice %arg6[%mul3A_14, %dma_start3A] : memref<320x128xf32, #tpu.memory_space<vmem>> -> memref<80x128xf32, #tpu.memory_space<vmem>>
      %dma_start3A_16 = tpu.memref_slice %arg5[%mul3A_14] : memref<1600xi32, #tpu.memory_space<vmem>> -> memref<80xi32, #tpu.memory_space<vmem>>
      %dma_start3A_17 = arith.constant 0 : i32
      %dma_start3A_18 = arith.constant 0 : i32
      %dma_start3A_19 = tpu.memref_slice %arg2[%dma_start3A_17, %dma_start3A_18] : memref<10240x128xf32, #tpu.memory_space<hbm>> -> memref<10240x128xf32, #tpu.memory_space<hbm>>
      tpu.enqueue_indirect_dma source(%dma_start3A_19 : memref<10240x128xf32, #tpu.memory_space<hbm>>) target(%dma_start3A_15 : memref<80x128xf32, #tpu.memory_space<vmem>>) offsets(%dma_start3A_16 : memref<80xi32, #tpu.memory_space<vmem>>) semaphore(%arg7 : memref<!tpu.dma_semaphore, #tpu.memory_space<semaphore_mem>>)
      %dma_wait3A = arith.constant 0 : i32
      %dma_wait3A_20 = tpu.memref_slice %arg6[%mul3A_14, %dma_wait3A] : memref<320x128xf32, #tpu.memory_space<vmem>> -> memref<80x128xf32, #tpu.memory_space<vmem>>
      %dma_wait3A_21 = tpu.memref_slice %arg5[%mul3A_14] : memref<1600xi32, #tpu.memory_space<vmem>> -> memref<80xi32, #tpu.memory_space<vmem>>
      %dma_wait3A_22 = arith.constant 0 : i32
      %dma_wait3A_23 = arith.constant 0 : i32
      %dma_wait3A_24 = tpu.memref_slice %arg2[%dma_wait3A_22, %dma_wait3A_23] : memref<10240x128xf32, #tpu.memory_space<hbm>> -> memref<10240x128xf32, #tpu.memory_space<hbm>>
      tpu.wait_indirect_dma semaphore(%arg7 : memref<!tpu.dma_semaphore, #tpu.memory_space<semaphore_mem>>) src(%dma_wait3A_24 : memref<10240x128xf32, #tpu.memory_space<hbm>>) dst(%dma_wait3A_20 : memref<80x128xf32, #tpu.memory_space<vmem>>)
      %add3A_25 = arith.constant 320 : i32
      %add3A_26 = arith.addi %add3A_25, %mul3A_14 : i32
      %dma_start3A_27 = arith.constant 0 : i32
      %dma_start3A_28 = tpu.memref_slice %arg6[%mul3A_14, %dma_start3A_27] : memref<320x128xf32, #tpu.memory_space<vmem>> -> memref<80x128xf32, #tpu.memory_space<vmem>>
      %dma_start3A_29 = tpu.memref_slice %arg5[%add3A_26] : memref<1600xi32, #tpu.memory_space<vmem>> -> memref<80xi32, #tpu.memory_space<vmem>>
      %dma_start3A_30 = arith.constant 0 : i32
      %dma_start3A_31 = arith.constant 0 : i32
      %dma_start3A_32 = tpu.memref_slice %arg2[%dma_start3A_30, %dma_start3A_31] : memref<10240x128xf32, #tpu.memory_space<hbm>> -> memref<10240x128xf32, #tpu.memory_space<hbm>>
      tpu.enqueue_indirect_dma source(%dma_start3A_32 : memref<10240x128xf32, #tpu.memory_space<hbm>>) target(%dma_start3A_28 : memref<80x128xf32, #tpu.memory_space<vmem>>) offsets(%dma_start3A_29 : memref<80xi32, #tpu.memory_space<vmem>>) semaphore(%arg7 : memref<!tpu.dma_semaphore, #tpu.memory_space<semaphore_mem>>) {add = true}
      %add3A_33 = arith.constant 640 : i32
      %add3A_34 = arith.addi %add3A_33, %mul3A_14 : i32
      %dma_start3A_35 = arith.constant 0 : i32
      %dma_start3A_36 = tpu.memref_slice %arg6[%mul3A_14, %dma_start3A_35] : memref<320x128xf32, #tpu.memory_space<vmem>> -> memref<80x128xf32, #tpu.memory_space<vmem>>
      %dma_start3A_37 = tpu.memref_slice %arg5[%add3A_34] : memref<1600xi32, #tpu.memory_space<vmem>> -> memref<80xi32, #tpu.memory_space<vmem>>
      %dma_start3A_38 = arith.constant 0 : i32
      %dma_start3A_39 = arith.constant 0 : i32
      %dma_start3A_40 = tpu.memref_slice %arg2[%dma_start3A_38, %dma_start3A_39] : memref<10240x128xf32, #tpu.memory_space<hbm>> -> memref<10240x128xf32, #tpu.memory_space<hbm>>
      tpu.enqueue_indirect_dma source(%dma_start3A_40 : memref<10240x128xf32, #tpu.memory_space<hbm>>) target(%dma_start3A_36 : memref<80x128xf32, #tpu.memory_space<vmem>>) offsets(%dma_start3A_37 : memref<80xi32, #tpu.memory_space<vmem>>) semaphore(%arg7 : memref<!tpu.dma_semaphore, #tpu.memory_space<semaphore_mem>>) {add = true}
      %add3A_41 = arith.constant 960 : i32
      %add3A_42 = arith.addi %add3A_41, %mul3A_14 : i32
      %dma_start3A_43 = arith.constant 0 : i32
      %dma_start3A_44 = tpu.memref_slice %arg6[%mul3A_14, %dma_start3A_43] : memref<320x128xf32, #tpu.memory_space<vmem>> -> memref<80x128xf32, #tpu.memory_space<vmem>>
      %dma_start3A_45 = tpu.memref_slice %arg5[%add3A_42] : memref<1600xi32, #tpu.memory_space<vmem>> -> memref<80xi32, #tpu.memory_space<vmem>>
      %dma_start3A_46 = arith.constant 0 : i32
      %dma_start3A_47 = arith.constant 0 : i32
      %dma_start3A_48 = tpu.memref_slice %arg2[%dma_start3A_46, %dma_start3A_47] : memref<10240x128xf32, #tpu.memory_space<hbm>> -> memref<10240x128xf32, #tpu.memory_space<hbm>>
      tpu.enqueue_indirect_dma source(%dma_start3A_48 : memref<10240x128xf32, #tpu.memory_space<hbm>>) target(%dma_start3A_44 : memref<80x128xf32, #tpu.memory_space<vmem>>) offsets(%dma_start3A_45 : memref<80xi32, #tpu.memory_space<vmem>>) semaphore(%arg7 : memref<!tpu.dma_semaphore, #tpu.memory_space<semaphore_mem>>) {add = true}
      %add3A_49 = arith.constant 1280 : i32
      %add3A_50 = arith.addi %add3A_49, %mul3A_14 : i32
      %dma_start3A_51 = arith.constant 0 : i32
      %dma_start3A_52 = tpu.memref_slice %arg6[%mul3A_14, %dma_start3A_51] : memref<320x128xf32, #tpu.memory_space<vmem>> -> memref<80x128xf32, #tpu.memory_space<vmem>>
      %dma_start3A_53 = tpu.memref_slice %arg5[%add3A_50] : memref<1600xi32, #tpu.memory_space<vmem>> -> memref<80xi32, #tpu.memory_space<vmem>>
      %dma_start3A_54 = arith.constant 0 : i32
      %dma_start3A_55 = arith.constant 0 : i32
      %dma_start3A_56 = tpu.memref_slice %arg2[%dma_start3A_54, %dma_start3A_55] : memref<10240x128xf32, #tpu.memory_space<hbm>> -> memref<10240x128xf32, #tpu.memory_space<hbm>>
      tpu.enqueue_indirect_dma source(%dma_start3A_56 : memref<10240x128xf32, #tpu.memory_space<hbm>>) target(%dma_start3A_52 : memref<80x128xf32, #tpu.memory_space<vmem>>) offsets(%dma_start3A_53 : memref<80xi32, #tpu.memory_space<vmem>>) semaphore(%arg7 : memref<!tpu.dma_semaphore, #tpu.memory_space<semaphore_mem>>) {add = true}
      %dma_wait3A_57 = arith.constant 0 : i32
      %dma_wait3A_58 = tpu.memref_slice %arg6[%mul3A_14, %dma_wait3A_57] : memref<320x128xf32, #tpu.memory_space<vmem>> -> memref<80x128xf32, #tpu.memory_space<vmem>>
      %dma_wait3A_59 = tpu.memref_slice %arg5[%add3A_26] : memref<1600xi32, #tpu.memory_space<vmem>> -> memref<80xi32, #tpu.memory_space<vmem>>
      %dma_wait3A_60 = arith.constant 0 : i32
      %dma_wait3A_61 = arith.constant 0 : i32
      %dma_wait3A_62 = tpu.memref_slice %arg2[%dma_wait3A_60, %dma_wait3A_61] : memref<10240x128xf32, #tpu.memory_space<hbm>> -> memref<10240x128xf32, #tpu.memory_space<hbm>>
      tpu.wait_indirect_dma semaphore(%arg7 : memref<!tpu.dma_semaphore, #tpu.memory_space<semaphore_mem>>) src(%dma_wait3A_62 : memref<10240x128xf32, #tpu.memory_space<hbm>>) dst(%dma_wait3A_58 : memref<80x128xf32, #tpu.memory_space<vmem>>)
      %dma_wait3A_63 = arith.constant 0 : i32
      %dma_wait3A_64 = tpu.memref_slice %arg6[%mul3A_14, %dma_wait3A_63] : memref<320x128xf32, #tpu.memory_space<vmem>> -> memref<80x128xf32, #tpu.memory_space<vmem>>
      %dma_wait3A_65 = tpu.memref_slice %arg5[%add3A_34] : memref<1600xi32, #tpu.memory_space<vmem>> -> memref<80xi32, #tpu.memory_space<vmem>>
      %dma_wait3A_66 = arith.constant 0 : i32
      %dma_wait3A_67 = arith.constant 0 : i32
      %dma_wait3A_68 = tpu.memref_slice %arg2[%dma_wait3A_66, %dma_wait3A_67] : memref<10240x128xf32, #tpu.memory_space<hbm>> -> memref<10240x128xf32, #tpu.memory_space<hbm>>
      tpu.wait_indirect_dma semaphore(%arg7 : memref<!tpu.dma_semaphore, #tpu.memory_space<semaphore_mem>>) src(%dma_wait3A_68 : memref<10240x128xf32, #tpu.memory_space<hbm>>) dst(%dma_wait3A_64 : memref<80x128xf32, #tpu.memory_space<vmem>>)
      %dma_wait3A_69 = arith.constant 0 : i32
      %dma_wait3A_70 = tpu.memref_slice %arg6[%mul3A_14, %dma_wait3A_69] : memref<320x128xf32, #tpu.memory_space<vmem>> -> memref<80x128xf32, #tpu.memory_space<vmem>>
      %dma_wait3A_71 = tpu.memref_slice %arg5[%add3A_42] : memref<1600xi32, #tpu.memory_space<vmem>> -> memref<80xi32, #tpu.memory_space<vmem>>
      %dma_wait3A_72 = arith.constant 0 : i32
      %dma_wait3A_73 = arith.constant 0 : i32
      %dma_wait3A_74 = tpu.memref_slice %arg2[%dma_wait3A_72, %dma_wait3A_73] : memref<10240x128xf32, #tpu.memory_space<hbm>> -> memref<10240x128xf32, #tpu.memory_space<hbm>>
      tpu.wait_indirect_dma semaphore(%arg7 : memref<!tpu.dma_semaphore, #tpu.memory_space<semaphore_mem>>) src(%dma_wait3A_74 : memref<10240x128xf32, #tpu.memory_space<hbm>>) dst(%dma_wait3A_70 : memref<80x128xf32, #tpu.memory_space<vmem>>)
      %dma_wait3A_75 = arith.constant 0 : i32
      %dma_wait3A_76 = tpu.memref_slice %arg6[%mul3A_14, %dma_wait3A_75] : memref<320x128xf32, #tpu.memory_space<vmem>> -> memref<80x128xf32, #tpu.memory_space<vmem>>
      %dma_wait3A_77 = tpu.memref_slice %arg5[%add3A_50] : memref<1600xi32, #tpu.memory_space<vmem>> -> memref<80xi32, #tpu.memory_space<vmem>>
      %dma_wait3A_78 = arith.constant 0 : i32
      %dma_wait3A_79 = arith.constant 0 : i32
      %dma_wait3A_80 = tpu.memref_slice %arg2[%dma_wait3A_78, %dma_wait3A_79] : memref<10240x128xf32, #tpu.memory_space<hbm>> -> memref<10240x128xf32, #tpu.memory_space<hbm>>
      tpu.wait_indirect_dma semaphore(%arg7 : memref<!tpu.dma_semaphore, #tpu.memory_space<semaphore_mem>>) src(%dma_wait3A_80 : memref<10240x128xf32, #tpu.memory_space<hbm>>) dst(%dma_wait3A_76 : memref<80x128xf32, #tpu.memory_space<vmem>>)
      %scan3A_81 = arith.constant 0 : i32
      scf.yield %scan3A_81 : i32
    }
    %scan3A_10 = arith.constant 4 : i32
    "tpu.region"() ({
      %run_scoped3A = tpu.sem_alloc : memref<!tpu.dma_semaphore, #tpu.memory_space<semaphore_mem>>
      %dma_start3A = arith.constant 0 : i32
      %dma_start3A_11 = tpu.memref_slice %arg4[%mul3A_2, %dma_start3A] : memref<10240x128xf32, #tpu.memory_space<hbm>> -> memref<320x128xf32, #tpu.memory_space<hbm>>
      %dma_start3A_12 = arith.constant 0 : i32
      %dma_start3A_13 = tpu.memref_slice %arg4[%mul3A_2, %dma_start3A_12] : memref<10240x128xf32, #tpu.memory_space<hbm>> -> memref<320x128xf32, #tpu.memory_space<hbm>>
      tpu.enqueue_dma source(%arg6 : memref<320x128xf32, #tpu.memory_space<vmem>>) target(%dma_start3A_13 : memref<320x128xf32, #tpu.memory_space<hbm>>) target_semaphore(%run_scoped3A : memref<!tpu.dma_semaphore, #tpu.memory_space<semaphore_mem>>)
      %dma_wait3A = arith.constant 0 : i32
      %dma_wait3A_14 = tpu.memref_slice %arg4[%mul3A_2, %dma_wait3A] : memref<10240x128xf32, #tpu.memory_space<hbm>> -> memref<320x128xf32, #tpu.memory_space<hbm>>
      %dma_wait3A_15 = arith.constant 0 : i32
      %dma_wait3A_16 = tpu.memref_slice %arg4[%mul3A_2, %dma_wait3A_15] : memref<10240x128xf32, #tpu.memory_space<hbm>> -> memref<320x128xf32, #tpu.memory_space<hbm>>
      tpu.wait_dma2 semaphore(%run_scoped3A : memref<!tpu.dma_semaphore, #tpu.memory_space<semaphore_mem>>) src(%arg6 : memref<320x128xf32, #tpu.memory_space<vmem>>) dst(%dma_wait3A_16 : memref<320x128xf32, #tpu.memory_space<hbm>>)
      tpu.yield
    }) : () -> ()
    return
  }
}

#map = affine_map<(d0, d1) -> (0, 0)>
#map1 = affine_map<(d0, d1) -> (0)>
module attributes {stable_mosaic.version = 14 : i64} {
  func.func @k(%arg0: i32, %arg1: i32, %arg2: memref<10240x128xf32, #tpu.memory_space<hbm>>, %arg3: memref<51200xi32, #tpu.memory_space<hbm>>, %arg4: memref<10240x128xf32, #tpu.memory_space<hbm>>, %arg5: memref<1600xi32, #tpu.memory_space<vmem>>, %arg6: memref<320x128xf32, #tpu.memory_space<vmem>>, %arg7: memref<!tpu.dma_semaphore, #tpu.memory_space<semaphore_mem>>) attributes {dimension_semantics = [#tpu.dimension_semantics<core_parallel>, #tpu.dimension_semantics<subcore_parallel>], iteration_bounds = array<i64: 2, 16>, scalar_prefetch = 0 : i64, scratch_operands = 3 : i64, tpu.core_type = #tpu.core_type<sc_vector_subcore>, window_params = [{transform_indices = #map}, {transform_indices = #map1}, {transform_indices = #map}]} {
    %mul3A = arith.constant 2 : i32
    %mul3A_0 = arith.muli %arg1, %mul3A : i32
    %add3A = arith.addi %mul3A_0, %arg0 : i32
    %mul3A_1 = arith.constant 320 : i32
    %mul3A_2 = arith.muli %add3A, %mul3A_1 : i32
    %mul3A_3 = arith.constant 1600 : i32
    %mul3A_4 = arith.muli %add3A, %mul3A_3 : i32
    "tpu.region"() ({
      %run_scoped3A = tpu.sem_alloc : memref<!tpu.dma_semaphore, #tpu.memory_space<semaphore_mem>>
      %dma_start3A = tpu.memref_slice %arg3[%mul3A_4] : memref<51200xi32, #tpu.memory_space<hbm>> -> memref<1600xi32, #tpu.memory_space<hbm>>
      %dma_start3A_11 = tpu.memref_slice %arg3[%mul3A_4] : memref<51200xi32, #tpu.memory_space<hbm>> -> memref<1600xi32, #tpu.memory_space<hbm>>
      tpu.enqueue_dma source(%dma_start3A_11 : memref<1600xi32, #tpu.memory_space<hbm>>) target(%arg5 : memref<1600xi32, #tpu.memory_space<vmem>>) target_semaphore(%run_scoped3A : memref<!tpu.dma_semaphore, #tpu.memory_space<semaphore_mem>>)
      %dma_wait3A = tpu.memref_slice %arg3[%mul3A_4] : memref<51200xi32, #tpu.memory_space<hbm>> -> memref<1600xi32, #tpu.memory_space<hbm>>
      %dma_wait3A_12 = tpu.memref_slice %arg3[%mul3A_4] : memref<51200xi32, #tpu.memory_space<hbm>> -> memref<1600xi32, #tpu.memory_space<hbm>>
      tpu.wait_dma2 semaphore(%run_scoped3A : memref<!tpu.dma_semaphore, #tpu.memory_space<semaphore_mem>>) src(%dma_wait3A_12 : memref<1600xi32, #tpu.memory_space<hbm>>) dst(%arg5 : memref<1600xi32, #tpu.memory_space<vmem>>)
      tpu.yield
    }) : () -> ()
    %scan3A = arith.constant 0 : i32
    %scan3A_5 = arith.constant 0 : i32
    %scan3A_6 = arith.constant 4 : i32
    %scan3A_7 = arith.addi %scan3A_5, %scan3A_6 : i32
    %scan3A_8 = arith.constant 1 : i32
    %scan3A_9 = scf.for %scan3A_11 = %scan3A_5 to %scan3A_7 step %scan3A_8 iter_args(%scan3A_12 = %scan3A) -> (i32)  : i32 {
      %mul3A_13 = arith.constant 80 : i32
      %mul3A_14 = arith.muli %scan3A_11, %mul3A_13 : i32
      %dma_start3A = arith.constant 0 : i32
      %dma_start3A_15 = tpu.memref_slice %arg6[%mul3A_14, %dma_start3A] : memref<320x128xf32, #tpu.memory_space<vmem>> -> memref<80x128xf32, #tpu.memory_space<vmem>>
      %dma_start3A_16 = tpu.memref_slice %arg5[%mul3A_14] : memref<1600xi32, #tpu.memory_space<vmem>> -> memref<80xi32, #tpu.memory_space<vmem>>
      %dma_start3A_17 = arith.constant 0 : i32
      %dma_start3A_18 = arith.constant 0 : i32
      %dma_start3A_19 = tpu.memref_slice %arg2[%dma_start3A_17, %dma_start3A_18] : memref<10240x128xf32, #tpu.memory_space<hbm>> -> memref<10240x128xf32, #tpu.memory_space<hbm>>
      tpu.enqueue_indirect_dma source(%dma_start3A_19 : memref<10240x128xf32, #tpu.memory_space<hbm>>) target(%dma_start3A_15 : memref<80x128xf32, #tpu.memory_space<vmem>>) offsets(%dma_start3A_16 : memref<80xi32, #tpu.memory_space<vmem>>) semaphore(%arg7 : memref<!tpu.dma_semaphore, #tpu.memory_space<semaphore_mem>>)
      %dma_wait3A = arith.constant 0 : i32
      %dma_wait3A_20 = tpu.memref_slice %arg6[%mul3A_14, %dma_wait3A] : memref<320x128xf32, #tpu.memory_space<vmem>> -> memref<80x128xf32, #tpu.memory_space<vmem>>
      %dma_wait3A_21 = tpu.memref_slice %arg5[%mul3A_14] : memref<1600xi32, #tpu.memory_space<vmem>> -> memref<80xi32, #tpu.memory_space<vmem>>
      %dma_wait3A_22 = arith.constant 0 : i32
      %dma_wait3A_23 = arith.constant 0 : i32
      %dma_wait3A_24 = tpu.memref_slice %arg2[%dma_wait3A_22, %dma_wait3A_23] : memref<10240x128xf32, #tpu.memory_space<hbm>> -> memref<10240x128xf32, #tpu.memory_space<hbm>>
      tpu.wait_indirect_dma semaphore(%arg7 : memref<!tpu.dma_semaphore, #tpu.memory_space<semaphore_mem>>) src(%dma_wait3A_24 : memref<10240x128xf32, #tpu.memory_space<hbm>>) dst(%dma_wait3A_20 : memref<80x128xf32, #tpu.memory_space<vmem>>)
      %add3A_25 = arith.constant 320 : i32
      %add3A_26 = arith.addi %add3A_25, %mul3A_14 : i32
      %dma_start3A_27 = arith.constant 0 : i32
      %dma_start3A_28 = tpu.memref_slice %arg6[%mul3A_14, %dma_start3A_27] : memref<320x128xf32, #tpu.memory_space<vmem>> -> memref<80x128xf32, #tpu.memory_space<vmem>>
      %dma_start3A_29 = tpu.memref_slice %arg5[%add3A_26] : memref<1600xi32, #tpu.memory_space<vmem>> -> memref<80xi32, #tpu.memory_space<vmem>>
      %dma_start3A_30 = arith.constant 0 : i32
      %dma_start3A_31 = arith.constant 0 : i32
      %dma_start3A_32 = tpu.memref_slice %arg2[%dma_start3A_30, %dma_start3A_31] : memref<10240x128xf32, #tpu.memory_space<hbm>> -> memref<10240x128xf32, #tpu.memory_space<hbm>>
      tpu.enqueue_indirect_dma source(%dma_start3A_32 : memref<10240x128xf32, #tpu.memory_space<hbm>>) target(%dma_start3A_28 : memref<80x128xf32, #tpu.memory_space<vmem>>) offsets(%dma_start3A_29 : memref<80xi32, #tpu.memory_space<vmem>>) semaphore(%arg7 : memref<!tpu.dma_semaphore, #tpu.memory_space<semaphore_mem>>) {add = true}
      %add3A_33 = arith.constant 640 : i32
      %add3A_34 = arith.addi %add3A_33, %mul3A_14 : i32
      %dma_start3A_35 = arith.constant 0 : i32
      %dma_start3A_36 = tpu.memref_slice %arg6[%mul3A_14, %dma_start3A_35] : memref<320x128xf32, #tpu.memory_space<vmem>> -> memref<80x128xf32, #tpu.memory_space<vmem>>
      %dma_start3A_37 = tpu.memref_slice %arg5[%add3A_34] : memref<1600xi32, #tpu.memory_space<vmem>> -> memref<80xi32, #tpu.memory_space<vmem>>
      %dma_start3A_38 = arith.constant 0 : i32
      %dma_start3A_39 = arith.constant 0 : i32
      %dma_start3A_40 = tpu.memref_slice %arg2[%dma_start3A_38, %dma_start3A_39] : memref<10240x128xf32, #tpu.memory_space<hbm>> -> memref<10240x128xf32, #tpu.memory_space<hbm>>
      tpu.enqueue_indirect_dma source(%dma_start3A_40 : memref<10240x128xf32, #tpu.memory_space<hbm>>) target(%dma_start3A_36 : memref<80x128xf32, #tpu.memory_space<vmem>>) offsets(%dma_start3A_37 : memref<80xi32, #tpu.memory_space<vmem>>) semaphore(%arg7 : memref<!tpu.dma_semaphore, #tpu.memory_space<semaphore_mem>>) {add = true}
      %add3A_41 = arith.constant 960 : i32
      %add3A_42 = arith.addi %add3A_41, %mul3A_14 : i32
      %dma_start3A_43 = arith.constant 0 : i32
      %dma_start3A_44 = tpu.memref_slice %arg6[%mul3A_14, %dma_start3A_43] : memref<320x128xf32, #tpu.memory_space<vmem>> -> memref<80x128xf32, #tpu.memory_space<vmem>>
      %dma_start3A_45 = tpu.memref_slice %arg5[%add3A_42] : memref<1600xi32, #tpu.memory_space<vmem>> -> memref<80xi32, #tpu.memory_space<vmem>>
      %dma_start3A_46 = arith.constant 0 : i32
      %dma_start3A_47 = arith.constant 0 : i32
      %dma_start3A_48 = tpu.memref_slice %arg2[%dma_start3A_46, %dma_start3A_47] : memref<10240x128xf32, #tpu.memory_space<hbm>> -> memref<10240x128xf32, #tpu.memory_space<hbm>>
      tpu.enqueue_indirect_dma source(%dma_start3A_48 : memref<10240x128xf32, #tpu.memory_space<hbm>>) target(%dma_start3A_44 : memref<80x128xf32, #tpu.memory_space<vmem>>) offsets(%dma_start3A_45 : memref<80xi32, #tpu.memory_space<vmem>>) semaphore(%arg7 : memref<!tpu.dma_semaphore, #tpu.memory_space<semaphore_mem>>) {add = true}
      %add3A_49 = arith.constant 1280 : i32
      %add3A_50 = arith.addi %add3A_49, %mul3A_14 : i32
      %dma_start3A_51 = arith.constant 0 : i32
      %dma_start3A_52 = tpu.memref_slice %arg6[%mul3A_14, %dma_start3A_51] : memref<320x128xf32, #tpu.memory_space<vmem>> -> memref<80x128xf32, #tpu.memory_space<vmem>>
      %dma_start3A_53 = tpu.memref_slice %arg5[%add3A_50] : memref<1600xi32, #tpu.memory_space<vmem>> -> memref<80xi32, #tpu.memory_space<vmem>>
      %dma_start3A_54 = arith.constant 0 : i32
      %dma_start3A_55 = arith.constant 0 : i32
      %dma_start3A_56 = tpu.memref_slice %arg2[%dma_start3A_54, %dma_start3A_55] : memref<10240x128xf32, #tpu.memory_space<hbm>> -> memref<10240x128xf32, #tpu.memory_space<hbm>>
      tpu.enqueue_indirect_dma source(%dma_start3A_56 : memref<10240x128xf32, #tpu.memory_space<hbm>>) target(%dma_start3A_52 : memref<80x128xf32, #tpu.memory_space<vmem>>) offsets(%dma_start3A_53 : memref<80xi32, #tpu.memory_space<vmem>>) semaphore(%arg7 : memref<!tpu.dma_semaphore, #tpu.memory_space<semaphore_mem>>) {add = true}
      %dma_wait3A_57 = arith.constant 0 : i32
      %dma_wait3A_58 = tpu.memref_slice %arg6[%mul3A_14, %dma_wait3A_57] : memref<320x128xf32, #tpu.memory_space<vmem>> -> memref<80x128xf32, #tpu.memory_space<vmem>>
      %dma_wait3A_59 = tpu.memref_slice %arg5[%add3A_26] : memref<1600xi32, #tpu.memory_space<vmem>> -> memref<80xi32, #tpu.memory_space<vmem>>
      %dma_wait3A_60 = arith.constant 0 : i32
      %dma_wait3A_61 = arith.constant 0 : i32
      %dma_wait3A_62 = tpu.memref_slice %arg2[%dma_wait3A_60, %dma_wait3A_61] : memref<10240x128xf32, #tpu.memory_space<hbm>> -> memref<10240x128xf32, #tpu.memory_space<hbm>>
      tpu.wait_indirect_dma semaphore(%arg7 : memref<!tpu.dma_semaphore, #tpu.memory_space<semaphore_mem>>) src(%dma_wait3A_62 : memref<10240x128xf32, #tpu.memory_space<hbm>>) dst(%dma_wait3A_58 : memref<80x128xf32, #tpu.memory_space<vmem>>)
      %dma_wait3A_63 = arith.constant 0 : i32
      %dma_wait3A_64 = tpu.memref_slice %arg6[%mul3A_14, %dma_wait3A_63] : memref<320x128xf32, #tpu.memory_space<vmem>> -> memref<80x128xf32, #tpu.memory_space<vmem>>
      %dma_wait3A_65 = tpu.memref_slice %arg5[%add3A_34] : memref<1600xi32, #tpu.memory_space<vmem>> -> memref<80xi32, #tpu.memory_space<vmem>>
      %dma_wait3A_66 = arith.constant 0 : i32
      %dma_wait3A_67 = arith.constant 0 : i32
      %dma_wait3A_68 = tpu.memref_slice %arg2[%dma_wait3A_66, %dma_wait3A_67] : memref<10240x128xf32, #tpu.memory_space<hbm>> -> memref<10240x128xf32, #tpu.memory_space<hbm>>
      tpu.wait_indirect_dma semaphore(%arg7 : memref<!tpu.dma_semaphore, #tpu.memory_space<semaphore_mem>>) src(%dma_wait3A_68 : memref<10240x128xf32, #tpu.memory_space<hbm>>) dst(%dma_wait3A_64 : memref<80x128xf32, #tpu.memory_space<vmem>>)
      %dma_wait3A_69 = arith.constant 0 : i32
      %dma_wait3A_70 = tpu.memref_slice %arg6[%mul3A_14, %dma_wait3A_69] : memref<320x128xf32, #tpu.memory_space<vmem>> -> memref<80x128xf32, #tpu.memory_space<vmem>>
      %dma_wait3A_71 = tpu.memref_slice %arg5[%add3A_42] : memref<1600xi32, #tpu.memory_space<vmem>> -> memref<80xi32, #tpu.memory_space<vmem>>
      %dma_wait3A_72 = arith.constant 0 : i32
      %dma_wait3A_73 = arith.constant 0 : i32
      %dma_wait3A_74 = tpu.memref_slice %arg2[%dma_wait3A_72, %dma_wait3A_73] : memref<10240x128xf32, #tpu.memory_space<hbm>> -> memref<10240x128xf32, #tpu.memory_space<hbm>>
      tpu.wait_indirect_dma semaphore(%arg7 : memref<!tpu.dma_semaphore, #tpu.memory_space<semaphore_mem>>) src(%dma_wait3A_74 : memref<10240x128xf32, #tpu.memory_space<hbm>>) dst(%dma_wait3A_70 : memref<80x128xf32, #tpu.memory_space<vmem>>)
      %dma_wait3A_75 = arith.constant 0 : i32
      %dma_wait3A_76 = tpu.memref_slice %arg6[%mul3A_14, %dma_wait3A_75] : memref<320x128xf32, #tpu.memory_space<vmem>> -> memref<80x128xf32, #tpu.memory_space<vmem>>
      %dma_wait3A_77 = tpu.memref_slice %arg5[%add3A_50] : memref<1600xi32, #tpu.memory_space<vmem>> -> memref<80xi32, #tpu.memory_space<vmem>>
      %dma_wait3A_78 = arith.constant 0 : i32
      %dma_wait3A_79 = arith.constant 0 : i32
      %dma_wait3A_80 = tpu.memref_slice %arg2[%dma_wait3A_78, %dma_wait3A_79] : memref<10240x128xf32, #tpu.memory_space<hbm>> -> memref<10240x128xf32, #tpu.memory_space<hbm>>
      tpu.wait_indirect_dma semaphore(%arg7 : memref<!tpu.dma_semaphore, #tpu.memory_space<semaphore_mem>>) src(%dma_wait3A_80 : memref<10240x128xf32, #tpu.memory_space<hbm>>) dst(%dma_wait3A_76 : memref<80x128xf32, #tpu.memory_space<vmem>>)
      %scan3A_81 = arith.constant 0 : i32
      scf.yield %scan3A_81 : i32
    }
    %scan3A_10 = arith.constant 4 : i32
    "tpu.region"() ({
      %run_scoped3A = tpu.sem_alloc : memref<!tpu.dma_semaphore, #tpu.memory_space<semaphore_mem>>
      %dma_start3A = arith.constant 0 : i32
      %dma_start3A_11 = tpu.memref_slice %arg4[%mul3A_2, %dma_start3A] : memref<10240x128xf32, #tpu.memory_space<hbm>> -> memref<320x128xf32, #tpu.memory_space<hbm>>
      %dma_start3A_12 = arith.constant 0 : i32
      %dma_start3A_13 = tpu.memref_slice %arg4[%mul3A_2, %dma_start3A_12] : memref<10240x128xf32, #tpu.memory_space<hbm>> -> memref<320x128xf32, #tpu.memory_space<hbm>>
      tpu.enqueue_dma source(%arg6 : memref<320x128xf32, #tpu.memory_space<vmem>>) target(%dma_start3A_13 : memref<320x128xf32, #tpu.memory_space<hbm>>) target_semaphore(%run_scoped3A : memref<!tpu.dma_semaphore, #tpu.memory_space<semaphore_mem>>)
      %dma_wait3A = arith.constant 0 : i32
      %dma_wait3A_14 = tpu.memref_slice %arg4[%mul3A_2, %dma_wait3A] : memref<10240x128xf32, #tpu.memory_space<hbm>> -> memref<320x128xf32, #tpu.memory_space<hbm>>
      %dma_wait3A_15 = arith.constant 0 : i32
      %dma_wait3A_16 = tpu.memref_slice %arg4[%mul3A_2, %dma_wait3A_15] : memref<10240x128xf32, #tpu.memory_space<hbm>> -> memref<320x128xf32, #tpu.memory_space<hbm>>
      tpu.wait_dma2 semaphore(%run_scoped3A : memref<!tpu.dma_semaphore, #tpu.memory_space<semaphore_mem>>) src(%arg6 : memref<320x128xf32, #tpu.memory_space<vmem>>) dst(%dma_wait3A_16 : memref<320x128xf32, #tpu.memory_space<hbm>>)
      tpu.yield
    }) : () -> ()
    return
  }
}

module attributes {stable_mosaic.version = 14 : i64} {
  func.func @body(%arg0: i32, %arg1: memref<40xi32, #tpu.memory_space<smem>>, %arg2: memref<40xi32, #tpu.memory_space<smem>>, %arg3: memref<256x8xf32, #tpu.memory_space<vmem>>, %arg4: memref<8x10240xf32, #tpu.memory_space<vmem>>, %arg5: memref<256x8xi32, #tpu.memory_space<vmem>>, %arg6: memref<8x10240xi32, #tpu.memory_space<vmem>>, %arg7: memref<256x8xi32, #tpu.memory_space<vmem>>) attributes {dimension_semantics = [#tpu.dimension_semantics<arbitrary>], iteration_bounds = array<i64: 40>, scalar_prefetch = 0 : i64, scratch_operands = 0 : i64, tpu.core_type = #tpu.core_type<tc>, window_params = [{transform_indices = @transform_0, window_bounds = array<i64: 40>}, {transform_indices = @transform_1, window_bounds = array<i64: 40>}, {transform_indices = @transform_2, window_bounds = array<i64: 256, 8>}, {pipeline_mode = #tpu.pipeline_mode<synchronous>, transform_indices = @transform_3, window_bounds = array<i64: 8, 10240>}, {transform_indices = @transform_4, window_bounds = array<i64: 256, 8>}, {pipeline_mode = #tpu.pipeline_mode<synchronous>, transform_indices = @transform_5, window_bounds = array<i64: 8, 10240>}, {transform_indices = @transform_6, window_bounds = array<i64: 256, 8>}]} {
    %get3A = arith.constant 0 : index
    %get3A_0 = arith.constant 0 : index
    %get3A_1 = vector.load %arg3[%get3A, %get3A_0] : memref<256x8xf32, #tpu.memory_space<vmem>>, vector<256x8xf32>
    %mul3A = arith.mulf %get3A_1, %get3A_1 : vector<256x8xf32>
    %reduce_sum3A = arith.constant dense<0.000000e+00> : vector<256xf32>
    %reduce_sum3A_2 = vector.multi_reduction <add>, %mul3A, %reduce_sum3A [1] : vector<256x8xf32> to vector<256xf32>
    %broadcast_in_dim3A = vector.shape_cast %reduce_sum3A_2 : vector<256xf32> to vector<256x1xf32>
    %get3A_3 = arith.constant 0 : index
    %get3A_4 = arith.constant 0 : index
    %get3A_5 = vector.load %arg5[%get3A_3, %get3A_4] : memref<256x8xi32, #tpu.memory_space<vmem>>, vector<256x1xi32>
    %mul3A_6 = arith.constant 256 : i32
    %mul3A_7 = arith.muli %arg0, %mul3A_6 : i32
    %iota3A = tpu.iota {dimensions = array<i32: 0>} : vector<256x1xi32>
    %add3A = vector.broadcast %mul3A_7 : i32 to vector<256x1xi32>
    %add3A_8 = arith.addi %add3A, %iota3A : vector<256x1xi32>
    %iota3A_9 = tpu.iota {dimensions = array<i32: 1>} : vector<256x512xi32>
    %convert_element_type3A = arith.sitofp %iota3A_9 : vector<256x512xi32> to vector<256x512xf32>
    %convert_element_type3A_10 = arith.sitofp %add3A_8 : vector<256x1xi32> to vector<256x1xf32>
    %get3A_11 = arith.index_cast %arg0 : i32 to index
    %get3A_12 = memref.load %arg1[%get3A_11] : memref<40xi32, #tpu.memory_space<smem>>
    %mul3A_13 = arith.constant 512 : i32
    %mul3A_14 = arith.muli %get3A_12, %mul3A_13 : i32
    %convert_element_type3A_15 = arith.sitofp %mul3A_14 : i32 to f32
    %get3A_16 = arith.constant 0 : index
    %get3A_17 = arith.index_cast %mul3A_14 : i32 to index
    %get3A_18 = vector.load %arg4[%get3A_16, %get3A_17] : memref<8x10240xf32, #tpu.memory_space<vmem>>, vector<8x512xf32>
    %mul3A_19 = arith.mulf %get3A_18, %get3A_18 : vector<8x512xf32>
    %reduce_sum3A_20 = arith.constant dense<0.000000e+00> : vector<512xf32>
    %reduce_sum3A_21 = vector.multi_reduction <add>, %mul3A_19, %reduce_sum3A_20 [0] : vector<8x512xf32> to vector<512xf32>
    %broadcast_in_dim3A_22 = vector.shape_cast %reduce_sum3A_21 : vector<512xf32> to vector<1x512xf32>
    %dot_general3A = arith.constant dense<0.000000e+00> : vector<256x512xf32>
    %dot_general3A_23 = tpu.matmul %get3A_1, %get3A_18, %dot_general3A {dimension_numbers = #tpu.dot_dimension_numbers<[1], [0], [0], [1], [0, 0, 1, 1], [], []>, transpose_lhs_hint = false} : vector<256x8xf32>, vector<8x512xf32>, vector<256x512xf32> -> vector<256x512xf32>
    %add3A_24 = vector.broadcast %broadcast_in_dim3A : vector<256x1xf32> to vector<256x512xf32>
    %add3A_25 = vector.broadcast %broadcast_in_dim3A_22 : vector<1x512xf32> to vector<256x512xf32>
    %add3A_26 = arith.addf %add3A_24, %add3A_25 : vector<256x512xf32>
    %mul3A_27 = arith.constant 2.000000e+00 : f32
    %mul3A_28 = vector.broadcast %mul3A_27 : f32 to vector<256x512xf32>
    %mul3A_29 = arith.mulf %mul3A_28, %dot_general3A_23 : vector<256x512xf32>
    %sub3A = arith.subf %add3A_26, %mul3A_29 : vector<256x512xf32>
    %get3A_30 = arith.constant 0 : index
    %get3A_31 = arith.index_cast %mul3A_14 : i32 to index
    %get3A_32 = vector.load %arg6[%get3A_30, %get3A_31] : memref<8x10240xi32, #tpu.memory_space<vmem>>, vector<1x512xi32>
    %eq3A = vector.broadcast %get3A_5 : vector<256x1xi32> to vector<256x512xi32>
    %eq3A_33 = vector.broadcast %get3A_32 : vector<1x512xi32> to vector<256x512xi32>
    %eq3A_34 = arith.cmpi eq, %eq3A, %eq3A_33 : vector<256x512xi32>
    %sub3A_35 = vector.broadcast %convert_element_type3A_15 : f32 to vector<256x1xf32>
    %sub3A_36 = arith.subf %convert_element_type3A_10, %sub3A_35 : vector<256x1xf32>
    %ne3A = vector.broadcast %sub3A_36 : vector<256x1xf32> to vector<256x512xf32>
    %ne3A_37 = arith.cmpf one, %ne3A, %convert_element_type3A : vector<256x512xf32>
    %and3A = arith.andi %eq3A_34, %ne3A_37 : vector<256x512xi1>
    %jit3A = arith.constant 1.000000e+10 : f32
    %broadcast_in_dim3A_38 = vector.broadcast %jit3A : f32 to vector<256x512xf32>
    %select_n3A = arith.select %and3A, %sub3A, %broadcast_in_dim3A_38 : vector<256x512xi1>, vector<256x512xf32>
    %reduce_min3A = arith.constant dense<0x7F800000> : vector<256xf32>
    %reduce_min3A_39 = vector.multi_reduction <minimumf>, %select_n3A, %reduce_min3A [1] : vector<256x512xf32> to vector<256xf32>
    %broadcast_in_dim3A_40 = vector.shape_cast %reduce_min3A_39 : vector<256xf32> to vector<256x1xf32>
    %eq3A_41 = vector.broadcast %broadcast_in_dim3A_40 : vector<256x1xf32> to vector<256x512xf32>
    %eq3A_42 = arith.cmpf oeq, %select_n3A, %eq3A_41 : vector<256x512xf32>
    %jit3A_43 = arith.constant 3.000000e+38 : f32
    %broadcast_in_dim3A_44 = vector.broadcast %jit3A_43 : f32 to vector<256x512xf32>
    %select_n3A_45 = arith.select %eq3A_42, %convert_element_type3A, %broadcast_in_dim3A_44 : vector<256x512xi1>, vector<256x512xf32>
    %reduce_min3A_46 = arith.constant dense<0x7F800000> : vector<256xf32>
    %reduce_min3A_47 = vector.multi_reduction <minimumf>, %select_n3A_45, %reduce_min3A_46 [1] : vector<256x512xf32> to vector<256xf32>
    %broadcast_in_dim3A_48 = vector.shape_cast %reduce_min3A_47 : vector<256xf32> to vector<256x1xf32>
    %eq3A_49 = vector.broadcast %broadcast_in_dim3A_48 : vector<256x1xf32> to vector<256x512xf32>
    %eq3A_50 = arith.cmpf oeq, %convert_element_type3A, %eq3A_49 : vector<256x512xf32>
    %jit3A_51 = arith.constant 3.000000e+38 : f32
    %broadcast_in_dim3A_52 = vector.broadcast %jit3A_51 : f32 to vector<256x512xf32>
    %select_n3A_53 = arith.select %eq3A_50, %broadcast_in_dim3A_52, %select_n3A : vector<256x512xi1>, vector<256x512xf32>
    %add3A_54 = vector.broadcast %convert_element_type3A_15 : f32 to vector<256x1xf32>
    %add3A_55 = arith.addf %broadcast_in_dim3A_48, %add3A_54 : vector<256x1xf32>
    %reduce_min3A_56 = arith.constant dense<0x7F800000> : vector<256xf32>
    %reduce_min3A_57 = vector.multi_reduction <minimumf>, %select_n3A_53, %reduce_min3A_56 [1] : vector<256x512xf32> to vector<256xf32>
    %broadcast_in_dim3A_58 = vector.shape_cast %reduce_min3A_57 : vector<256xf32> to vector<256x1xf32>
    %eq3A_59 = vector.broadcast %broadcast_in_dim3A_58 : vector<256x1xf32> to vector<256x512xf32>
    %eq3A_60 = arith.cmpf oeq, %select_n3A_53, %eq3A_59 : vector<256x512xf32>
    %jit3A_61 = arith.constant 3.000000e+38 : f32
    %broadcast_in_dim3A_62 = vector.broadcast %jit3A_61 : f32 to vector<256x512xf32>
    %select_n3A_63 = arith.select %eq3A_60, %convert_element_type3A, %broadcast_in_dim3A_62 : vector<256x512xi1>, vector<256x512xf32>
    %reduce_min3A_64 = arith.constant dense<0x7F800000> : vector<256xf32>
    %reduce_min3A_65 = vector.multi_reduction <minimumf>, %select_n3A_63, %reduce_min3A_64 [1] : vector<256x512xf32> to vector<256xf32>
    %broadcast_in_dim3A_66 = vector.shape_cast %reduce_min3A_65 : vector<256xf32> to vector<256x1xf32>
    %eq3A_67 = vector.broadcast %broadcast_in_dim3A_66 : vector<256x1xf32> to vector<256x512xf32>
    %eq3A_68 = arith.cmpf oeq, %convert_element_type3A, %eq3A_67 : vector<256x512xf32>
    %jit3A_69 = arith.constant 3.000000e+38 : f32
    %broadcast_in_dim3A_70 = vector.broadcast %jit3A_69 : f32 to vector<256x512xf32>
    %select_n3A_71 = arith.select %eq3A_68, %broadcast_in_dim3A_70, %select_n3A_53 : vector<256x512xi1>, vector<256x512xf32>
    %add3A_72 = vector.broadcast %convert_element_type3A_15 : f32 to vector<256x1xf32>
    %add3A_73 = arith.addf %broadcast_in_dim3A_66, %add3A_72 : vector<256x1xf32>
    %reduce_min3A_74 = arith.constant dense<0x7F800000> : vector<256xf32>
    %reduce_min3A_75 = vector.multi_reduction <minimumf>, %select_n3A_71, %reduce_min3A_74 [1] : vector<256x512xf32> to vector<256xf32>
    %broadcast_in_dim3A_76 = vector.shape_cast %reduce_min3A_75 : vector<256xf32> to vector<256x1xf32>
    %eq3A_77 = vector.broadcast %broadcast_in_dim3A_76 : vector<256x1xf32> to vector<256x512xf32>
    %eq3A_78 = arith.cmpf oeq, %select_n3A_71, %eq3A_77 : vector<256x512xf32>
    %jit3A_79 = arith.constant 3.000000e+38 : f32
    %broadcast_in_dim3A_80 = vector.broadcast %jit3A_79 : f32 to vector<256x512xf32>
    %select_n3A_81 = arith.select %eq3A_78, %convert_element_type3A, %broadcast_in_dim3A_80 : vector<256x512xi1>, vector<256x512xf32>
    %reduce_min3A_82 = arith.constant dense<0x7F800000> : vector<256xf32>
    %reduce_min3A_83 = vector.multi_reduction <minimumf>, %select_n3A_81, %reduce_min3A_82 [1] : vector<256x512xf32> to vector<256xf32>
    %broadcast_in_dim3A_84 = vector.shape_cast %reduce_min3A_83 : vector<256xf32> to vector<256x1xf32>
    %eq3A_85 = vector.broadcast %broadcast_in_dim3A_84 : vector<256x1xf32> to vector<256x512xf32>
    %eq3A_86 = arith.cmpf oeq, %convert_element_type3A, %eq3A_85 : vector<256x512xf32>
    %jit3A_87 = arith.constant 3.000000e+38 : f32
    %broadcast_in_dim3A_88 = vector.broadcast %jit3A_87 : f32 to vector<256x512xf32>
    %select_n3A_89 = arith.select %eq3A_86, %broadcast_in_dim3A_88, %select_n3A_71 : vector<256x512xi1>, vector<256x512xf32>
    %add3A_90 = vector.broadcast %convert_element_type3A_15 : f32 to vector<256x1xf32>
    %add3A_91 = arith.addf %broadcast_in_dim3A_84, %add3A_90 : vector<256x1xf32>
    %reduce_min3A_92 = arith.constant dense<0x7F800000> : vector<256xf32>
    %reduce_min3A_93 = vector.multi_reduction <minimumf>, %select_n3A_89, %reduce_min3A_92 [1] : vector<256x512xf32> to vector<256xf32>
    %broadcast_in_dim3A_94 = vector.shape_cast %reduce_min3A_93 : vector<256xf32> to vector<256x1xf32>
    %eq3A_95 = vector.broadcast %broadcast_in_dim3A_94 : vector<256x1xf32> to vector<256x512xf32>
    %eq3A_96 = arith.cmpf oeq, %select_n3A_89, %eq3A_95 : vector<256x512xf32>
    %jit3A_97 = arith.constant 3.000000e+38 : f32
    %broadcast_in_dim3A_98 = vector.broadcast %jit3A_97 : f32 to vector<256x512xf32>
    %select_n3A_99 = arith.select %eq3A_96, %convert_element_type3A, %broadcast_in_dim3A_98 : vector<256x512xi1>, vector<256x512xf32>
    %reduce_min3A_100 = arith.constant dense<0x7F800000> : vector<256xf32>
    %reduce_min3A_101 = vector.multi_reduction <minimumf>, %select_n3A_99, %reduce_min3A_100 [1] : vector<256x512xf32> to vector<256xf32>
    %broadcast_in_dim3A_102 = vector.shape_cast %reduce_min3A_101 : vector<256xf32> to vector<256x1xf32>
    %eq3A_103 = vector.broadcast %broadcast_in_dim3A_102 : vector<256x1xf32> to vector<256x512xf32>
    %eq3A_104 = arith.cmpf oeq, %convert_element_type3A, %eq3A_103 : vector<256x512xf32>
    %jit3A_105 = arith.constant 3.000000e+38 : f32
    %broadcast_in_dim3A_106 = vector.broadcast %jit3A_105 : f32 to vector<256x512xf32>
    %select_n3A_107 = arith.select %eq3A_104, %broadcast_in_dim3A_106, %select_n3A_89 : vector<256x512xi1>, vector<256x512xf32>
    %add3A_108 = vector.broadcast %convert_element_type3A_15 : f32 to vector<256x1xf32>
    %add3A_109 = arith.addf %broadcast_in_dim3A_102, %add3A_108 : vector<256x1xf32>
    %reduce_min3A_110 = arith.constant dense<0x7F800000> : vector<256xf32>
    %reduce_min3A_111 = vector.multi_reduction <minimumf>, %select_n3A_107, %reduce_min3A_110 [1] : vector<256x512xf32> to vector<256xf32>
    %broadcast_in_dim3A_112 = vector.shape_cast %reduce_min3A_111 : vector<256xf32> to vector<256x1xf32>
    %eq3A_113 = vector.broadcast %broadcast_in_dim3A_112 : vector<256x1xf32> to vector<256x512xf32>
    %eq3A_114 = arith.cmpf oeq, %select_n3A_107, %eq3A_113 : vector<256x512xf32>
    %jit3A_115 = arith.constant 3.000000e+38 : f32
    %broadcast_in_dim3A_116 = vector.broadcast %jit3A_115 : f32 to vector<256x512xf32>
    %select_n3A_117 = arith.select %eq3A_114, %convert_element_type3A, %broadcast_in_dim3A_116 : vector<256x512xi1>, vector<256x512xf32>
    %reduce_min3A_118 = arith.constant dense<0x7F800000> : vector<256xf32>
    %reduce_min3A_119 = vector.multi_reduction <minimumf>, %select_n3A_117, %reduce_min3A_118 [1] : vector<256x512xf32> to vector<256xf32>
    %broadcast_in_dim3A_120 = vector.shape_cast %reduce_min3A_119 : vector<256xf32> to vector<256x1xf32>
    %add3A_121 = vector.broadcast %convert_element_type3A_15 : f32 to vector<256x1xf32>
    %add3A_122 = arith.addf %broadcast_in_dim3A_120, %add3A_121 : vector<256x1xf32>
    %broadcast_in_dim3A_123 = arith.constant 3.000000e+38 : f32
    %broadcast_in_dim3A_124 = vector.broadcast %broadcast_in_dim3A_123 : f32 to vector<256x3xf32>
    %concatenate3A = tpu.concatenate %broadcast_in_dim3A_40, %broadcast_in_dim3A_58, %broadcast_in_dim3A_76, %broadcast_in_dim3A_94, %broadcast_in_dim3A_112, %broadcast_in_dim3A_124 in 1 : vector<256x1xf32>, vector<256x1xf32>, vector<256x1xf32>, vector<256x1xf32>, vector<256x1xf32>, vector<256x3xf32> -> vector<256x8xf32>
    %concatenate3A_125 = tpu.concatenate %add3A_55, %add3A_73, %add3A_91, %add3A_109, %add3A_122, %broadcast_in_dim3A_124 in 1 : vector<256x1xf32>, vector<256x1xf32>, vector<256x1xf32>, vector<256x1xf32>, vector<256x1xf32>, vector<256x3xf32> -> vector<256x8xf32>
    %add3A_126 = arith.constant 1 : i32
    %add3A_127 = arith.addi %get3A_12, %add3A_126 : i32
    %get3A_128 = arith.index_cast %arg0 : i32 to index
    %get3A_129 = memref.load %arg2[%get3A_128] : memref<40xi32, #tpu.memory_space<smem>>
    %while3A = arith.subi %get3A_129, %add3A_127 : i32
    %while3A_130 = arith.addi %add3A_127, %while3A : i32
    %while3A_131 = arith.constant 1 : i32
    %while3A_132 = arith.divsi %while3A, %while3A_131 : i32
    %while3A_133 = arith.muli %while3A_132, %while3A_131 : i32
    %while3A_134 = arith.addi %add3A_127, %while3A_133 : i32
    %while3A_135 = arith.constant 1 : i32
    %while3A_136:2 = scf.for %while3A_144 = %add3A_127 to %while3A_134 step %while3A_135 iter_args(%while3A_145 = %concatenate3A, %while3A_146 = %concatenate3A_125) -> (vector<256x8xf32>, vector<256x8xf32>)  : i32 {
      %mul3A_147 = arith.constant 512 : i32
      %mul3A_148 = arith.muli %while3A_144, %mul3A_147 : i32
      %convert_element_type3A_149 = arith.sitofp %mul3A_148 : i32 to f32
      %get3A_150 = arith.constant 0 : index
      %get3A_151 = arith.index_cast %mul3A_148 : i32 to index
      %get3A_152 = vector.load %arg4[%get3A_150, %get3A_151] : memref<8x10240xf32, #tpu.memory_space<vmem>>, vector<8x512xf32>
      %mul3A_153 = arith.mulf %get3A_152, %get3A_152 : vector<8x512xf32>
      %reduce_sum3A_154 = arith.constant dense<0.000000e+00> : vector<512xf32>
      %reduce_sum3A_155 = vector.multi_reduction <add>, %mul3A_153, %reduce_sum3A_154 [0] : vector<8x512xf32> to vector<512xf32>
      %broadcast_in_dim3A_156 = vector.shape_cast %reduce_sum3A_155 : vector<512xf32> to vector<1x512xf32>
      %dot_general3A_157 = arith.constant dense<0.000000e+00> : vector<256x512xf32>
      %dot_general3A_158 = tpu.matmul %get3A_1, %get3A_152, %dot_general3A_157 {dimension_numbers = #tpu.dot_dimension_numbers<[1], [0], [0], [1], [0, 0, 1, 1], [], []>, transpose_lhs_hint = false} : vector<256x8xf32>, vector<8x512xf32>, vector<256x512xf32> -> vector<256x512xf32>
      %add3A_159 = vector.broadcast %broadcast_in_dim3A : vector<256x1xf32> to vector<256x512xf32>
      %add3A_160 = vector.broadcast %broadcast_in_dim3A_156 : vector<1x512xf32> to vector<256x512xf32>
      %add3A_161 = arith.addf %add3A_159, %add3A_160 : vector<256x512xf32>
      %mul3A_162 = arith.constant 2.000000e+00 : f32
      %mul3A_163 = vector.broadcast %mul3A_162 : f32 to vector<256x512xf32>
      %mul3A_164 = arith.mulf %mul3A_163, %dot_general3A_158 : vector<256x512xf32>
      %sub3A_165 = arith.subf %add3A_161, %mul3A_164 : vector<256x512xf32>
      %get3A_166 = arith.constant 0 : index
      %get3A_167 = arith.index_cast %mul3A_148 : i32 to index
      %get3A_168 = vector.load %arg6[%get3A_166, %get3A_167] : memref<8x10240xi32, #tpu.memory_space<vmem>>, vector<1x512xi32>
      %eq3A_169 = vector.broadcast %get3A_5 : vector<256x1xi32> to vector<256x512xi32>
      %eq3A_170 = vector.broadcast %get3A_168 : vector<1x512xi32> to vector<256x512xi32>
      %eq3A_171 = arith.cmpi eq, %eq3A_169, %eq3A_170 : vector<256x512xi32>
      %sub3A_172 = vector.broadcast %convert_element_type3A_149 : f32 to vector<256x1xf32>
      %sub3A_173 = arith.subf %convert_element_type3A_10, %sub3A_172 : vector<256x1xf32>
      %ne3A_174 = vector.broadcast %sub3A_173 : vector<256x1xf32> to vector<256x512xf32>
      %ne3A_175 = arith.cmpf one, %ne3A_174, %convert_element_type3A : vector<256x512xf32>
      %and3A_176 = arith.andi %eq3A_171, %ne3A_175 : vector<256x512xi1>
      %jit3A_177 = arith.constant 1.000000e+10 : f32
      %broadcast_in_dim3A_178 = vector.broadcast %jit3A_177 : f32 to vector<256x512xf32>
      %select_n3A_179 = arith.select %and3A_176, %sub3A_165, %broadcast_in_dim3A_178 : vector<256x512xi1>, vector<256x512xf32>
      %reduce_min3A_180 = arith.constant dense<0x7F800000> : vector<256xf32>
      %reduce_min3A_181 = vector.multi_reduction <minimumf>, %select_n3A_179, %reduce_min3A_180 [1] : vector<256x512xf32> to vector<256xf32>
      %broadcast_in_dim3A_182 = vector.shape_cast %reduce_min3A_181 : vector<256xf32> to vector<256x1xf32>
      %eq3A_183 = vector.broadcast %broadcast_in_dim3A_182 : vector<256x1xf32> to vector<256x512xf32>
      %eq3A_184 = arith.cmpf oeq, %select_n3A_179, %eq3A_183 : vector<256x512xf32>
      %jit3A_185 = arith.constant 3.000000e+38 : f32
      %broadcast_in_dim3A_186 = vector.broadcast %jit3A_185 : f32 to vector<256x512xf32>
      %select_n3A_187 = arith.select %eq3A_184, %convert_element_type3A, %broadcast_in_dim3A_186 : vector<256x512xi1>, vector<256x512xf32>
      %reduce_min3A_188 = arith.constant dense<0x7F800000> : vector<256xf32>
      %reduce_min3A_189 = vector.multi_reduction <minimumf>, %select_n3A_187, %reduce_min3A_188 [1] : vector<256x512xf32> to vector<256xf32>
      %broadcast_in_dim3A_190 = vector.shape_cast %reduce_min3A_189 : vector<256xf32> to vector<256x1xf32>
      %eq3A_191 = vector.broadcast %broadcast_in_dim3A_190 : vector<256x1xf32> to vector<256x512xf32>
      %eq3A_192 = arith.cmpf oeq, %convert_element_type3A, %eq3A_191 : vector<256x512xf32>
      %jit3A_193 = arith.constant 3.000000e+38 : f32
      %broadcast_in_dim3A_194 = vector.broadcast %jit3A_193 : f32 to vector<256x512xf32>
      %select_n3A_195 = arith.select %eq3A_192, %broadcast_in_dim3A_194, %select_n3A_179 : vector<256x512xi1>, vector<256x512xf32>
      %add3A_196 = vector.broadcast %convert_element_type3A_149 : f32 to vector<256x1xf32>
      %add3A_197 = arith.addf %broadcast_in_dim3A_190, %add3A_196 : vector<256x1xf32>
      %reduce_min3A_198 = arith.constant dense<0x7F800000> : vector<256xf32>
      %reduce_min3A_199 = vector.multi_reduction <minimumf>, %select_n3A_195, %reduce_min3A_198 [1] : vector<256x512xf32> to vector<256xf32>
      %broadcast_in_dim3A_200 = vector.shape_cast %reduce_min3A_199 : vector<256xf32> to vector<256x1xf32>
      %eq3A_201 = vector.broadcast %broadcast_in_dim3A_200 : vector<256x1xf32> to vector<256x512xf32>
      %eq3A_202 = arith.cmpf oeq, %select_n3A_195, %eq3A_201 : vector<256x512xf32>
      %jit3A_203 = arith.constant 3.000000e+38 : f32
      %broadcast_in_dim3A_204 = vector.broadcast %jit3A_203 : f32 to vector<256x512xf32>
      %select_n3A_205 = arith.select %eq3A_202, %convert_element_type3A, %broadcast_in_dim3A_204 : vector<256x512xi1>, vector<256x512xf32>
      %reduce_min3A_206 = arith.constant dense<0x7F800000> : vector<256xf32>
      %reduce_min3A_207 = vector.multi_reduction <minimumf>, %select_n3A_205, %reduce_min3A_206 [1] : vector<256x512xf32> to vector<256xf32>
      %broadcast_in_dim3A_208 = vector.shape_cast %reduce_min3A_207 : vector<256xf32> to vector<256x1xf32>
      %eq3A_209 = vector.broadcast %broadcast_in_dim3A_208 : vector<256x1xf32> to vector<256x512xf32>
      %eq3A_210 = arith.cmpf oeq, %convert_element_type3A, %eq3A_209 : vector<256x512xf32>
      %jit3A_211 = arith.constant 3.000000e+38 : f32
      %broadcast_in_dim3A_212 = vector.broadcast %jit3A_211 : f32 to vector<256x512xf32>
      %select_n3A_213 = arith.select %eq3A_210, %broadcast_in_dim3A_212, %select_n3A_195 : vector<256x512xi1>, vector<256x512xf32>
      %add3A_214 = vector.broadcast %convert_element_type3A_149 : f32 to vector<256x1xf32>
      %add3A_215 = arith.addf %broadcast_in_dim3A_208, %add3A_214 : vector<256x1xf32>
      %reduce_min3A_216 = arith.constant dense<0x7F800000> : vector<256xf32>
      %reduce_min3A_217 = vector.multi_reduction <minimumf>, %select_n3A_213, %reduce_min3A_216 [1] : vector<256x512xf32> to vector<256xf32>
      %broadcast_in_dim3A_218 = vector.shape_cast %reduce_min3A_217 : vector<256xf32> to vector<256x1xf32>
      %eq3A_219 = vector.broadcast %broadcast_in_dim3A_218 : vector<256x1xf32> to vector<256x512xf32>
      %eq3A_220 = arith.cmpf oeq, %select_n3A_213, %eq3A_219 : vector<256x512xf32>
      %jit3A_221 = arith.constant 3.000000e+38 : f32
      %broadcast_in_dim3A_222 = vector.broadcast %jit3A_221 : f32 to vector<256x512xf32>
      %select_n3A_223 = arith.select %eq3A_220, %convert_element_type3A, %broadcast_in_dim3A_222 : vector<256x512xi1>, vector<256x512xf32>
      %reduce_min3A_224 = arith.constant dense<0x7F800000> : vector<256xf32>
      %reduce_min3A_225 = vector.multi_reduction <minimumf>, %select_n3A_223, %reduce_min3A_224 [1] : vector<256x512xf32> to vector<256xf32>
      %broadcast_in_dim3A_226 = vector.shape_cast %reduce_min3A_225 : vector<256xf32> to vector<256x1xf32>
      %eq3A_227 = vector.broadcast %broadcast_in_dim3A_226 : vector<256x1xf32> to vector<256x512xf32>
      %eq3A_228 = arith.cmpf oeq, %convert_element_type3A, %eq3A_227 : vector<256x512xf32>
      %jit3A_229 = arith.constant 3.000000e+38 : f32
      %broadcast_in_dim3A_230 = vector.broadcast %jit3A_229 : f32 to vector<256x512xf32>
      %select_n3A_231 = arith.select %eq3A_228, %broadcast_in_dim3A_230, %select_n3A_213 : vector<256x512xi1>, vector<256x512xf32>
      %add3A_232 = vector.broadcast %convert_element_type3A_149 : f32 to vector<256x1xf32>
      %add3A_233 = arith.addf %broadcast_in_dim3A_226, %add3A_232 : vector<256x1xf32>
      %reduce_min3A_234 = arith.constant dense<0x7F800000> : vector<256xf32>
      %reduce_min3A_235 = vector.multi_reduction <minimumf>, %select_n3A_231, %reduce_min3A_234 [1] : vector<256x512xf32> to vector<256xf32>
      %broadcast_in_dim3A_236 = vector.shape_cast %reduce_min3A_235 : vector<256xf32> to vector<256x1xf32>
      %eq3A_237 = vector.broadcast %broadcast_in_dim3A_236 : vector<256x1xf32> to vector<256x512xf32>
      %eq3A_238 = arith.cmpf oeq, %select_n3A_231, %eq3A_237 : vector<256x512xf32>
      %jit3A_239 = arith.constant 3.000000e+38 : f32
      %broadcast_in_dim3A_240 = vector.broadcast %jit3A_239 : f32 to vector<256x512xf32>
      %select_n3A_241 = arith.select %eq3A_238, %convert_element_type3A, %broadcast_in_dim3A_240 : vector<256x512xi1>, vector<256x512xf32>
      %reduce_min3A_242 = arith.constant dense<0x7F800000> : vector<256xf32>
      %reduce_min3A_243 = vector.multi_reduction <minimumf>, %select_n3A_241, %reduce_min3A_242 [1] : vector<256x512xf32> to vector<256xf32>
      %broadcast_in_dim3A_244 = vector.shape_cast %reduce_min3A_243 : vector<256xf32> to vector<256x1xf32>
      %eq3A_245 = vector.broadcast %broadcast_in_dim3A_244 : vector<256x1xf32> to vector<256x512xf32>
      %eq3A_246 = arith.cmpf oeq, %convert_element_type3A, %eq3A_245 : vector<256x512xf32>
      %jit3A_247 = arith.constant 3.000000e+38 : f32
      %broadcast_in_dim3A_248 = vector.broadcast %jit3A_247 : f32 to vector<256x512xf32>
      %select_n3A_249 = arith.select %eq3A_246, %broadcast_in_dim3A_248, %select_n3A_231 : vector<256x512xi1>, vector<256x512xf32>
      %add3A_250 = vector.broadcast %convert_element_type3A_149 : f32 to vector<256x1xf32>
      %add3A_251 = arith.addf %broadcast_in_dim3A_244, %add3A_250 : vector<256x1xf32>
      %reduce_min3A_252 = arith.constant dense<0x7F800000> : vector<256xf32>
      %reduce_min3A_253 = vector.multi_reduction <minimumf>, %select_n3A_249, %reduce_min3A_252 [1] : vector<256x512xf32> to vector<256xf32>
      %broadcast_in_dim3A_254 = vector.shape_cast %reduce_min3A_253 : vector<256xf32> to vector<256x1xf32>
      %eq3A_255 = vector.broadcast %broadcast_in_dim3A_254 : vector<256x1xf32> to vector<256x512xf32>
      %eq3A_256 = arith.cmpf oeq, %select_n3A_249, %eq3A_255 : vector<256x512xf32>
      %jit3A_257 = arith.constant 3.000000e+38 : f32
      %broadcast_in_dim3A_258 = vector.broadcast %jit3A_257 : f32 to vector<256x512xf32>
      %select_n3A_259 = arith.select %eq3A_256, %convert_element_type3A, %broadcast_in_dim3A_258 : vector<256x512xi1>, vector<256x512xf32>
      %reduce_min3A_260 = arith.constant dense<0x7F800000> : vector<256xf32>
      %reduce_min3A_261 = vector.multi_reduction <minimumf>, %select_n3A_259, %reduce_min3A_260 [1] : vector<256x512xf32> to vector<256xf32>
      %broadcast_in_dim3A_262 = vector.shape_cast %reduce_min3A_261 : vector<256xf32> to vector<256x1xf32>
      %eq3A_263 = vector.broadcast %broadcast_in_dim3A_262 : vector<256x1xf32> to vector<256x512xf32>
      %eq3A_264 = arith.cmpf oeq, %convert_element_type3A, %eq3A_263 : vector<256x512xf32>
      %jit3A_265 = arith.constant 3.000000e+38 : f32
      %broadcast_in_dim3A_266 = vector.broadcast %jit3A_265 : f32 to vector<256x512xf32>
      %select_n3A_267 = arith.select %eq3A_264, %broadcast_in_dim3A_266, %select_n3A_249 : vector<256x512xi1>, vector<256x512xf32>
      %add3A_268 = vector.broadcast %convert_element_type3A_149 : f32 to vector<256x1xf32>
      %add3A_269 = arith.addf %broadcast_in_dim3A_262, %add3A_268 : vector<256x1xf32>
      %slice3A = vector.extract_strided_slice %while3A_145 {offsets = [0, 0], sizes = [256, 5], strides = [1, 1]} : vector<256x8xf32> to vector<256x5xf32>
      %concatenate3A_270 = tpu.concatenate %slice3A, %broadcast_in_dim3A_182, %broadcast_in_dim3A_200, %broadcast_in_dim3A_218, %broadcast_in_dim3A_236, %broadcast_in_dim3A_254 in 1 : vector<256x5xf32>, vector<256x1xf32>, vector<256x1xf32>, vector<256x1xf32>, vector<256x1xf32>, vector<256x1xf32> -> vector<256x10xf32>
      %slice3A_271 = vector.extract_strided_slice %while3A_146 {offsets = [0, 0], sizes = [256, 5], strides = [1, 1]} : vector<256x8xf32> to vector<256x5xf32>
      %concatenate3A_272 = tpu.concatenate %slice3A_271, %add3A_197, %add3A_215, %add3A_233, %add3A_251, %add3A_269 in 1 : vector<256x5xf32>, vector<256x1xf32>, vector<256x1xf32>, vector<256x1xf32>, vector<256x1xf32>, vector<256x1xf32> -> vector<256x10xf32>
      %reduce_min3A_273 = arith.constant dense<0x7F800000> : vector<256xf32>
      %reduce_min3A_274 = vector.multi_reduction <minimumf>, %concatenate3A_270, %reduce_min3A_273 [1] : vector<256x10xf32> to vector<256xf32>
      %broadcast_in_dim3A_275 = vector.shape_cast %reduce_min3A_274 : vector<256xf32> to vector<256x1xf32>
      %eq3A_276 = vector.broadcast %broadcast_in_dim3A_275 : vector<256x1xf32> to vector<256x10xf32>
      %eq3A_277 = arith.cmpf oeq, %concatenate3A_270, %eq3A_276 : vector<256x10xf32>
      %jit3A_278 = arith.constant 3.000000e+38 : f32
      %broadcast_in_dim3A_279 = vector.broadcast %jit3A_278 : f32 to vector<256x10xf32>
      %select_n3A_280 = arith.select %eq3A_277, %concatenate3A_272, %broadcast_in_dim3A_279 : vector<256x10xi1>, vector<256x10xf32>
      %reduce_min3A_281 = arith.constant dense<0x7F800000> : vector<256xf32>
      %reduce_min3A_282 = vector.multi_reduction <minimumf>, %select_n3A_280, %reduce_min3A_281 [1] : vector<256x10xf32> to vector<256xf32>
      %broadcast_in_dim3A_283 = vector.shape_cast %reduce_min3A_282 : vector<256xf32> to vector<256x1xf32>
      %eq3A_284 = vector.broadcast %broadcast_in_dim3A_275 : vector<256x1xf32> to vector<256x10xf32>
      %eq3A_285 = arith.cmpf oeq, %concatenate3A_270, %eq3A_284 : vector<256x10xf32>
      %eq3A_286 = vector.broadcast %broadcast_in_dim3A_283 : vector<256x1xf32> to vector<256x10xf32>
      %eq3A_287 = arith.cmpf oeq, %concatenate3A_272, %eq3A_286 : vector<256x10xf32>
      %and3A_288 = arith.andi %eq3A_285, %eq3A_287 : vector<256x10xi1>
      %jit3A_289 = arith.constant 3.000000e+38 : f32
      %broadcast_in_dim3A_290 = vector.broadcast %jit3A_289 : f32 to vector<256x10xf32>
      %select_n3A_291 = arith.select %and3A_288, %broadcast_in_dim3A_290, %concatenate3A_270 : vector<256x10xi1>, vector<256x10xf32>
      %reduce_min3A_292 = arith.constant dense<0x7F800000> : vector<256xf32>
      %reduce_min3A_293 = vector.multi_reduction <minimumf>, %select_n3A_291, %reduce_min3A_292 [1] : vector<256x10xf32> to vector<256xf32>
      %broadcast_in_dim3A_294 = vector.shape_cast %reduce_min3A_293 : vector<256xf32> to vector<256x1xf32>
      %eq3A_295 = vector.broadcast %broadcast_in_dim3A_294 : vector<256x1xf32> to vector<256x10xf32>
      %eq3A_296 = arith.cmpf oeq, %select_n3A_291, %eq3A_295 : vector<256x10xf32>
      %jit3A_297 = arith.constant 3.000000e+38 : f32
      %broadcast_in_dim3A_298 = vector.broadcast %jit3A_297 : f32 to vector<256x10xf32>
      %select_n3A_299 = arith.select %eq3A_296, %concatenate3A_272, %broadcast_in_dim3A_298 : vector<256x10xi1>, vector<256x10xf32>
      %reduce_min3A_300 = arith.constant dense<0x7F800000> : vector<256xf32>
      %reduce_min3A_301 = vector.multi_reduction <minimumf>, %select_n3A_299, %reduce_min3A_300 [1] : vector<256x10xf32> to vector<256xf32>
      %broadcast_in_dim3A_302 = vector.shape_cast %reduce_min3A_301 : vector<256xf32> to vector<256x1xf32>
      %eq3A_303 = vector.broadcast %broadcast_in_dim3A_294 : vector<256x1xf32> to vector<256x10xf32>
      %eq3A_304 = arith.cmpf oeq, %select_n3A_291, %eq3A_303 : vector<256x10xf32>
      %eq3A_305 = vector.broadcast %broadcast_in_dim3A_302 : vector<256x1xf32> to vector<256x10xf32>
      %eq3A_306 = arith.cmpf oeq, %concatenate3A_272, %eq3A_305 : vector<256x10xf32>
      %and3A_307 = arith.andi %eq3A_304, %eq3A_306 : vector<256x10xi1>
      %jit3A_308 = arith.constant 3.000000e+38 : f32
      %broadcast_in_dim3A_309 = vector.broadcast %jit3A_308 : f32 to vector<256x10xf32>
      %select_n3A_310 = arith.select %and3A_307, %broadcast_in_dim3A_309, %select_n3A_291 : vector<256x10xi1>, vector<256x10xf32>
      %reduce_min3A_311 = arith.constant dense<0x7F800000> : vector<256xf32>
      %reduce_min3A_312 = vector.multi_reduction <minimumf>, %select_n3A_310, %reduce_min3A_311 [1] : vector<256x10xf32> to vector<256xf32>
      %broadcast_in_dim3A_313 = vector.shape_cast %reduce_min3A_312 : vector<256xf32> to vector<256x1xf32>
      %eq3A_314 = vector.broadcast %broadcast_in_dim3A_313 : vector<256x1xf32> to vector<256x10xf32>
      %eq3A_315 = arith.cmpf oeq, %select_n3A_310, %eq3A_314 : vector<256x10xf32>
      %jit3A_316 = arith.constant 3.000000e+38 : f32
      %broadcast_in_dim3A_317 = vector.broadcast %jit3A_316 : f32 to vector<256x10xf32>
      %select_n3A_318 = arith.select %eq3A_315, %concatenate3A_272, %broadcast_in_dim3A_317 : vector<256x10xi1>, vector<256x10xf32>
      %reduce_min3A_319 = arith.constant dense<0x7F800000> : vector<256xf32>
      %reduce_min3A_320 = vector.multi_reduction <minimumf>, %select_n3A_318, %reduce_min3A_319 [1] : vector<256x10xf32> to vector<256xf32>
      %broadcast_in_dim3A_321 = vector.shape_cast %reduce_min3A_320 : vector<256xf32> to vector<256x1xf32>
      %eq3A_322 = vector.broadcast %broadcast_in_dim3A_313 : vector<256x1xf32> to vector<256x10xf32>
      %eq3A_323 = arith.cmpf oeq, %select_n3A_310, %eq3A_322 : vector<256x10xf32>
      %eq3A_324 = vector.broadcast %broadcast_in_dim3A_321 : vector<256x1xf32> to vector<256x10xf32>
      %eq3A_325 = arith.cmpf oeq, %concatenate3A_272, %eq3A_324 : vector<256x10xf32>
      %and3A_326 = arith.andi %eq3A_323, %eq3A_325 : vector<256x10xi1>
      %jit3A_327 = arith.constant 3.000000e+38 : f32
      %broadcast_in_dim3A_328 = vector.broadcast %jit3A_327 : f32 to vector<256x10xf32>
      %select_n3A_329 = arith.select %and3A_326, %broadcast_in_dim3A_328, %select_n3A_310 : vector<256x10xi1>, vector<256x10xf32>
      %reduce_min3A_330 = arith.constant dense<0x7F800000> : vector<256xf32>
      %reduce_min3A_331 = vector.multi_reduction <minimumf>, %select_n3A_329, %reduce_min3A_330 [1] : vector<256x10xf32> to vector<256xf32>
      %broadcast_in_dim3A_332 = vector.shape_cast %reduce_min3A_331 : vector<256xf32> to vector<256x1xf32>
      %eq3A_333 = vector.broadcast %broadcast_in_dim3A_332 : vector<256x1xf32> to vector<256x10xf32>
      %eq3A_334 = arith.cmpf oeq, %select_n3A_329, %eq3A_333 : vector<256x10xf32>
      %jit3A_335 = arith.constant 3.000000e+38 : f32
      %broadcast_in_dim3A_336 = vector.broadcast %jit3A_335 : f32 to vector<256x10xf32>
      %select_n3A_337 = arith.select %eq3A_334, %concatenate3A_272, %broadcast_in_dim3A_336 : vector<256x10xi1>, vector<256x10xf32>
      %reduce_min3A_338 = arith.constant dense<0x7F800000> : vector<256xf32>
      %reduce_min3A_339 = vector.multi_reduction <minimumf>, %select_n3A_337, %reduce_min3A_338 [1] : vector<256x10xf32> to vector<256xf32>
      %broadcast_in_dim3A_340 = vector.shape_cast %reduce_min3A_339 : vector<256xf32> to vector<256x1xf32>
      %eq3A_341 = vector.broadcast %broadcast_in_dim3A_332 : vector<256x1xf32> to vector<256x10xf32>
      %eq3A_342 = arith.cmpf oeq, %select_n3A_329, %eq3A_341 : vector<256x10xf32>
      %eq3A_343 = vector.broadcast %broadcast_in_dim3A_340 : vector<256x1xf32> to vector<256x10xf32>
      %eq3A_344 = arith.cmpf oeq, %concatenate3A_272, %eq3A_343 : vector<256x10xf32>
      %and3A_345 = arith.andi %eq3A_342, %eq3A_344 : vector<256x10xi1>
      %jit3A_346 = arith.constant 3.000000e+38 : f32
      %broadcast_in_dim3A_347 = vector.broadcast %jit3A_346 : f32 to vector<256x10xf32>
      %select_n3A_348 = arith.select %and3A_345, %broadcast_in_dim3A_347, %select_n3A_329 : vector<256x10xi1>, vector<256x10xf32>
      %reduce_min3A_349 = arith.constant dense<0x7F800000> : vector<256xf32>
      %reduce_min3A_350 = vector.multi_reduction <minimumf>, %select_n3A_348, %reduce_min3A_349 [1] : vector<256x10xf32> to vector<256xf32>
      %broadcast_in_dim3A_351 = vector.shape_cast %reduce_min3A_350 : vector<256xf32> to vector<256x1xf32>
      %eq3A_352 = vector.broadcast %broadcast_in_dim3A_351 : vector<256x1xf32> to vector<256x10xf32>
      %eq3A_353 = arith.cmpf oeq, %select_n3A_348, %eq3A_352 : vector<256x10xf32>
      %jit3A_354 = arith.constant 3.000000e+38 : f32
      %broadcast_in_dim3A_355 = vector.broadcast %jit3A_354 : f32 to vector<256x10xf32>
      %select_n3A_356 = arith.select %eq3A_353, %concatenate3A_272, %broadcast_in_dim3A_355 : vector<256x10xi1>, vector<256x10xf32>
      %reduce_min3A_357 = arith.constant dense<0x7F800000> : vector<256xf32>
      %reduce_min3A_358 = vector.multi_reduction <minimumf>, %select_n3A_356, %reduce_min3A_357 [1] : vector<256x10xf32> to vector<256xf32>
      %broadcast_in_dim3A_359 = vector.shape_cast %reduce_min3A_358 : vector<256xf32> to vector<256x1xf32>
      %eq3A_360 = vector.broadcast %broadcast_in_dim3A_351 : vector<256x1xf32> to vector<256x10xf32>
      %eq3A_361 = arith.cmpf oeq, %select_n3A_348, %eq3A_360 : vector<256x10xf32>
      %eq3A_362 = vector.broadcast %broadcast_in_dim3A_359 : vector<256x1xf32> to vector<256x10xf32>
      %eq3A_363 = arith.cmpf oeq, %concatenate3A_272, %eq3A_362 : vector<256x10xf32>
      %and3A_364 = arith.andi %eq3A_361, %eq3A_363 : vector<256x10xi1>
      %jit3A_365 = arith.constant 3.000000e+38 : f32
      %broadcast_in_dim3A_366 = vector.broadcast %jit3A_365 : f32 to vector<256x10xf32>
      %select_n3A_367 = arith.select %and3A_364, %broadcast_in_dim3A_366, %select_n3A_348 : vector<256x10xi1>, vector<256x10xf32>
      %broadcast_in_dim3A_368 = arith.constant 3.000000e+38 : f32
      %broadcast_in_dim3A_369 = vector.broadcast %broadcast_in_dim3A_368 : f32 to vector<256x3xf32>
      %concatenate3A_370 = tpu.concatenate %broadcast_in_dim3A_275, %broadcast_in_dim3A_294, %broadcast_in_dim3A_313, %broadcast_in_dim3A_332, %broadcast_in_dim3A_351, %broadcast_in_dim3A_369 in 1 : vector<256x1xf32>, vector<256x1xf32>, vector<256x1xf32>, vector<256x1xf32>, vector<256x1xf32>, vector<256x3xf32> -> vector<256x8xf32>
      %concatenate3A_371 = tpu.concatenate %broadcast_in_dim3A_283, %broadcast_in_dim3A_302, %broadcast_in_dim3A_321, %broadcast_in_dim3A_340, %broadcast_in_dim3A_359, %broadcast_in_dim3A_369 in 1 : vector<256x1xf32>, vector<256x1xf32>, vector<256x1xf32>, vector<256x1xf32>, vector<256x1xf32>, vector<256x3xf32> -> vector<256x8xf32>
      scf.yield %concatenate3A_370, %concatenate3A_371 : vector<256x8xf32>, vector<256x8xf32>
    }
    %while3A_137 = arith.constant 1 : i32
    %while3A_138:2 = scf.for %while3A_144 = %while3A_134 to %while3A_130 step %while3A_137 iter_args(%while3A_145 = %while3A_136#0, %while3A_146 = %while3A_136#1) -> (vector<256x8xf32>, vector<256x8xf32>)  : i32 {
      %mul3A_147 = arith.constant 512 : i32
      %mul3A_148 = arith.muli %while3A_144, %mul3A_147 : i32
      %convert_element_type3A_149 = arith.sitofp %mul3A_148 : i32 to f32
      %get3A_150 = arith.constant 0 : index
      %get3A_151 = arith.index_cast %mul3A_148 : i32 to index
      %get3A_152 = vector.load %arg4[%get3A_150, %get3A_151] : memref<8x10240xf32, #tpu.memory_space<vmem>>, vector<8x512xf32>
      %mul3A_153 = arith.mulf %get3A_152, %get3A_152 : vector<8x512xf32>
      %reduce_sum3A_154 = arith.constant dense<0.000000e+00> : vector<512xf32>
      %reduce_sum3A_155 = vector.multi_reduction <add>, %mul3A_153, %reduce_sum3A_154 [0] : vector<8x512xf32> to vector<512xf32>
      %broadcast_in_dim3A_156 = vector.shape_cast %reduce_sum3A_155 : vector<512xf32> to vector<1x512xf32>
      %dot_general3A_157 = arith.constant dense<0.000000e+00> : vector<256x512xf32>
      %dot_general3A_158 = tpu.matmul %get3A_1, %get3A_152, %dot_general3A_157 {dimension_numbers = #tpu.dot_dimension_numbers<[1], [0], [0], [1], [0, 0, 1, 1], [], []>, transpose_lhs_hint = false} : vector<256x8xf32>, vector<8x512xf32>, vector<256x512xf32> -> vector<256x512xf32>
      %add3A_159 = vector.broadcast %broadcast_in_dim3A : vector<256x1xf32> to vector<256x512xf32>
      %add3A_160 = vector.broadcast %broadcast_in_dim3A_156 : vector<1x512xf32> to vector<256x512xf32>
      %add3A_161 = arith.addf %add3A_159, %add3A_160 : vector<256x512xf32>
      %mul3A_162 = arith.constant 2.000000e+00 : f32
      %mul3A_163 = vector.broadcast %mul3A_162 : f32 to vector<256x512xf32>
      %mul3A_164 = arith.mulf %mul3A_163, %dot_general3A_158 : vector<256x512xf32>
      %sub3A_165 = arith.subf %add3A_161, %mul3A_164 : vector<256x512xf32>
      %get3A_166 = arith.constant 0 : index
      %get3A_167 = arith.index_cast %mul3A_148 : i32 to index
      %get3A_168 = vector.load %arg6[%get3A_166, %get3A_167] : memref<8x10240xi32, #tpu.memory_space<vmem>>, vector<1x512xi32>
      %eq3A_169 = vector.broadcast %get3A_5 : vector<256x1xi32> to vector<256x512xi32>
      %eq3A_170 = vector.broadcast %get3A_168 : vector<1x512xi32> to vector<256x512xi32>
      %eq3A_171 = arith.cmpi eq, %eq3A_169, %eq3A_170 : vector<256x512xi32>
      %sub3A_172 = vector.broadcast %convert_element_type3A_149 : f32 to vector<256x1xf32>
      %sub3A_173 = arith.subf %convert_element_type3A_10, %sub3A_172 : vector<256x1xf32>
      %ne3A_174 = vector.broadcast %sub3A_173 : vector<256x1xf32> to vector<256x512xf32>
      %ne3A_175 = arith.cmpf one, %ne3A_174, %convert_element_type3A : vector<256x512xf32>
      %and3A_176 = arith.andi %eq3A_171, %ne3A_175 : vector<256x512xi1>
      %jit3A_177 = arith.constant 1.000000e+10 : f32
      %broadcast_in_dim3A_178 = vector.broadcast %jit3A_177 : f32 to vector<256x512xf32>
      %select_n3A_179 = arith.select %and3A_176, %sub3A_165, %broadcast_in_dim3A_178 : vector<256x512xi1>, vector<256x512xf32>
      %reduce_min3A_180 = arith.constant dense<0x7F800000> : vector<256xf32>
      %reduce_min3A_181 = vector.multi_reduction <minimumf>, %select_n3A_179, %reduce_min3A_180 [1] : vector<256x512xf32> to vector<256xf32>
      %broadcast_in_dim3A_182 = vector.shape_cast %reduce_min3A_181 : vector<256xf32> to vector<256x1xf32>
      %eq3A_183 = vector.broadcast %broadcast_in_dim3A_182 : vector<256x1xf32> to vector<256x512xf32>
      %eq3A_184 = arith.cmpf oeq, %select_n3A_179, %eq3A_183 : vector<256x512xf32>
      %jit3A_185 = arith.constant 3.000000e+38 : f32
      %broadcast_in_dim3A_186 = vector.broadcast %jit3A_185 : f32 to vector<256x512xf32>
      %select_n3A_187 = arith.select %eq3A_184, %convert_element_type3A, %broadcast_in_dim3A_186 : vector<256x512xi1>, vector<256x512xf32>
      %reduce_min3A_188 = arith.constant dense<0x7F800000> : vector<256xf32>
      %reduce_min3A_189 = vector.multi_reduction <minimumf>, %select_n3A_187, %reduce_min3A_188 [1] : vector<256x512xf32> to vector<256xf32>
      %broadcast_in_dim3A_190 = vector.shape_cast %reduce_min3A_189 : vector<256xf32> to vector<256x1xf32>
      %eq3A_191 = vector.broadcast %broadcast_in_dim3A_190 : vector<256x1xf32> to vector<256x512xf32>
      %eq3A_192 = arith.cmpf oeq, %convert_element_type3A, %eq3A_191 : vector<256x512xf32>
      %jit3A_193 = arith.constant 3.000000e+38 : f32
      %broadcast_in_dim3A_194 = vector.broadcast %jit3A_193 : f32 to vector<256x512xf32>
      %select_n3A_195 = arith.select %eq3A_192, %broadcast_in_dim3A_194, %select_n3A_179 : vector<256x512xi1>, vector<256x512xf32>
      %add3A_196 = vector.broadcast %convert_element_type3A_149 : f32 to vector<256x1xf32>
      %add3A_197 = arith.addf %broadcast_in_dim3A_190, %add3A_196 : vector<256x1xf32>
      %reduce_min3A_198 = arith.constant dense<0x7F800000> : vector<256xf32>
      %reduce_min3A_199 = vector.multi_reduction <minimumf>, %select_n3A_195, %reduce_min3A_198 [1] : vector<256x512xf32> to vector<256xf32>
      %broadcast_in_dim3A_200 = vector.shape_cast %reduce_min3A_199 : vector<256xf32> to vector<256x1xf32>
      %eq3A_201 = vector.broadcast %broadcast_in_dim3A_200 : vector<256x1xf32> to vector<256x512xf32>
      %eq3A_202 = arith.cmpf oeq, %select_n3A_195, %eq3A_201 : vector<256x512xf32>
      %jit3A_203 = arith.constant 3.000000e+38 : f32
      %broadcast_in_dim3A_204 = vector.broadcast %jit3A_203 : f32 to vector<256x512xf32>
      %select_n3A_205 = arith.select %eq3A_202, %convert_element_type3A, %broadcast_in_dim3A_204 : vector<256x512xi1>, vector<256x512xf32>
      %reduce_min3A_206 = arith.constant dense<0x7F800000> : vector<256xf32>
      %reduce_min3A_207 = vector.multi_reduction <minimumf>, %select_n3A_205, %reduce_min3A_206 [1] : vector<256x512xf32> to vector<256xf32>
      %broadcast_in_dim3A_208 = vector.shape_cast %reduce_min3A_207 : vector<256xf32> to vector<256x1xf32>
      %eq3A_209 = vector.broadcast %broadcast_in_dim3A_208 : vector<256x1xf32> to vector<256x512xf32>
      %eq3A_210 = arith.cmpf oeq, %convert_element_type3A, %eq3A_209 : vector<256x512xf32>
      %jit3A_211 = arith.constant 3.000000e+38 : f32
      %broadcast_in_dim3A_212 = vector.broadcast %jit3A_211 : f32 to vector<256x512xf32>
      %select_n3A_213 = arith.select %eq3A_210, %broadcast_in_dim3A_212, %select_n3A_195 : vector<256x512xi1>, vector<256x512xf32>
      %add3A_214 = vector.broadcast %convert_element_type3A_149 : f32 to vector<256x1xf32>
      %add3A_215 = arith.addf %broadcast_in_dim3A_208, %add3A_214 : vector<256x1xf32>
      %reduce_min3A_216 = arith.constant dense<0x7F800000> : vector<256xf32>
      %reduce_min3A_217 = vector.multi_reduction <minimumf>, %select_n3A_213, %reduce_min3A_216 [1] : vector<256x512xf32> to vector<256xf32>
      %broadcast_in_dim3A_218 = vector.shape_cast %reduce_min3A_217 : vector<256xf32> to vector<256x1xf32>
      %eq3A_219 = vector.broadcast %broadcast_in_dim3A_218 : vector<256x1xf32> to vector<256x512xf32>
      %eq3A_220 = arith.cmpf oeq, %select_n3A_213, %eq3A_219 : vector<256x512xf32>
      %jit3A_221 = arith.constant 3.000000e+38 : f32
      %broadcast_in_dim3A_222 = vector.broadcast %jit3A_221 : f32 to vector<256x512xf32>
      %select_n3A_223 = arith.select %eq3A_220, %convert_element_type3A, %broadcast_in_dim3A_222 : vector<256x512xi1>, vector<256x512xf32>
      %reduce_min3A_224 = arith.constant dense<0x7F800000> : vector<256xf32>
      %reduce_min3A_225 = vector.multi_reduction <minimumf>, %select_n3A_223, %reduce_min3A_224 [1] : vector<256x512xf32> to vector<256xf32>
      %broadcast_in_dim3A_226 = vector.shape_cast %reduce_min3A_225 : vector<256xf32> to vector<256x1xf32>
      %eq3A_227 = vector.broadcast %broadcast_in_dim3A_226 : vector<256x1xf32> to vector<256x512xf32>
      %eq3A_228 = arith.cmpf oeq, %convert_element_type3A, %eq3A_227 : vector<256x512xf32>
      %jit3A_229 = arith.constant 3.000000e+38 : f32
      %broadcast_in_dim3A_230 = vector.broadcast %jit3A_229 : f32 to vector<256x512xf32>
      %select_n3A_231 = arith.select %eq3A_228, %broadcast_in_dim3A_230, %select_n3A_213 : vector<256x512xi1>, vector<256x512xf32>
      %add3A_232 = vector.broadcast %convert_element_type3A_149 : f32 to vector<256x1xf32>
      %add3A_233 = arith.addf %broadcast_in_dim3A_226, %add3A_232 : vector<256x1xf32>
      %reduce_min3A_234 = arith.constant dense<0x7F800000> : vector<256xf32>
      %reduce_min3A_235 = vector.multi_reduction <minimumf>, %select_n3A_231, %reduce_min3A_234 [1] : vector<256x512xf32> to vector<256xf32>
      %broadcast_in_dim3A_236 = vector.shape_cast %reduce_min3A_235 : vector<256xf32> to vector<256x1xf32>
      %eq3A_237 = vector.broadcast %broadcast_in_dim3A_236 : vector<256x1xf32> to vector<256x512xf32>
      %eq3A_238 = arith.cmpf oeq, %select_n3A_231, %eq3A_237 : vector<256x512xf32>
      %jit3A_239 = arith.constant 3.000000e+38 : f32
      %broadcast_in_dim3A_240 = vector.broadcast %jit3A_239 : f32 to vector<256x512xf32>
      %select_n3A_241 = arith.select %eq3A_238, %convert_element_type3A, %broadcast_in_dim3A_240 : vector<256x512xi1>, vector<256x512xf32>
      %reduce_min3A_242 = arith.constant dense<0x7F800000> : vector<256xf32>
      %reduce_min3A_243 = vector.multi_reduction <minimumf>, %select_n3A_241, %reduce_min3A_242 [1] : vector<256x512xf32> to vector<256xf32>
      %broadcast_in_dim3A_244 = vector.shape_cast %reduce_min3A_243 : vector<256xf32> to vector<256x1xf32>
      %eq3A_245 = vector.broadcast %broadcast_in_dim3A_244 : vector<256x1xf32> to vector<256x512xf32>
      %eq3A_246 = arith.cmpf oeq, %convert_element_type3A, %eq3A_245 : vector<256x512xf32>
      %jit3A_247 = arith.constant 3.000000e+38 : f32
      %broadcast_in_dim3A_248 = vector.broadcast %jit3A_247 : f32 to vector<256x512xf32>
      %select_n3A_249 = arith.select %eq3A_246, %broadcast_in_dim3A_248, %select_n3A_231 : vector<256x512xi1>, vector<256x512xf32>
      %add3A_250 = vector.broadcast %convert_element_type3A_149 : f32 to vector<256x1xf32>
      %add3A_251 = arith.addf %broadcast_in_dim3A_244, %add3A_250 : vector<256x1xf32>
      %reduce_min3A_252 = arith.constant dense<0x7F800000> : vector<256xf32>
      %reduce_min3A_253 = vector.multi_reduction <minimumf>, %select_n3A_249, %reduce_min3A_252 [1] : vector<256x512xf32> to vector<256xf32>
      %broadcast_in_dim3A_254 = vector.shape_cast %reduce_min3A_253 : vector<256xf32> to vector<256x1xf32>
      %eq3A_255 = vector.broadcast %broadcast_in_dim3A_254 : vector<256x1xf32> to vector<256x512xf32>
      %eq3A_256 = arith.cmpf oeq, %select_n3A_249, %eq3A_255 : vector<256x512xf32>
      %jit3A_257 = arith.constant 3.000000e+38 : f32
      %broadcast_in_dim3A_258 = vector.broadcast %jit3A_257 : f32 to vector<256x512xf32>
      %select_n3A_259 = arith.select %eq3A_256, %convert_element_type3A, %broadcast_in_dim3A_258 : vector<256x512xi1>, vector<256x512xf32>
      %reduce_min3A_260 = arith.constant dense<0x7F800000> : vector<256xf32>
      %reduce_min3A_261 = vector.multi_reduction <minimumf>, %select_n3A_259, %reduce_min3A_260 [1] : vector<256x512xf32> to vector<256xf32>
      %broadcast_in_dim3A_262 = vector.shape_cast %reduce_min3A_261 : vector<256xf32> to vector<256x1xf32>
      %eq3A_263 = vector.broadcast %broadcast_in_dim3A_262 : vector<256x1xf32> to vector<256x512xf32>
      %eq3A_264 = arith.cmpf oeq, %convert_element_type3A, %eq3A_263 : vector<256x512xf32>
      %jit3A_265 = arith.constant 3.000000e+38 : f32
      %broadcast_in_dim3A_266 = vector.broadcast %jit3A_265 : f32 to vector<256x512xf32>
      %select_n3A_267 = arith.select %eq3A_264, %broadcast_in_dim3A_266, %select_n3A_249 : vector<256x512xi1>, vector<256x512xf32>
      %add3A_268 = vector.broadcast %convert_element_type3A_149 : f32 to vector<256x1xf32>
      %add3A_269 = arith.addf %broadcast_in_dim3A_262, %add3A_268 : vector<256x1xf32>
      %slice3A = vector.extract_strided_slice %while3A_145 {offsets = [0, 0], sizes = [256, 5], strides = [1, 1]} : vector<256x8xf32> to vector<256x5xf32>
      %concatenate3A_270 = tpu.concatenate %slice3A, %broadcast_in_dim3A_182, %broadcast_in_dim3A_200, %broadcast_in_dim3A_218, %broadcast_in_dim3A_236, %broadcast_in_dim3A_254 in 1 : vector<256x5xf32>, vector<256x1xf32>, vector<256x1xf32>, vector<256x1xf32>, vector<256x1xf32>, vector<256x1xf32> -> vector<256x10xf32>
      %slice3A_271 = vector.extract_strided_slice %while3A_146 {offsets = [0, 0], sizes = [256, 5], strides = [1, 1]} : vector<256x8xf32> to vector<256x5xf32>
      %concatenate3A_272 = tpu.concatenate %slice3A_271, %add3A_197, %add3A_215, %add3A_233, %add3A_251, %add3A_269 in 1 : vector<256x5xf32>, vector<256x1xf32>, vector<256x1xf32>, vector<256x1xf32>, vector<256x1xf32>, vector<256x1xf32> -> vector<256x10xf32>
      %reduce_min3A_273 = arith.constant dense<0x7F800000> : vector<256xf32>
      %reduce_min3A_274 = vector.multi_reduction <minimumf>, %concatenate3A_270, %reduce_min3A_273 [1] : vector<256x10xf32> to vector<256xf32>
      %broadcast_in_dim3A_275 = vector.shape_cast %reduce_min3A_274 : vector<256xf32> to vector<256x1xf32>
      %eq3A_276 = vector.broadcast %broadcast_in_dim3A_275 : vector<256x1xf32> to vector<256x10xf32>
      %eq3A_277 = arith.cmpf oeq, %concatenate3A_270, %eq3A_276 : vector<256x10xf32>
      %jit3A_278 = arith.constant 3.000000e+38 : f32
      %broadcast_in_dim3A_279 = vector.broadcast %jit3A_278 : f32 to vector<256x10xf32>
      %select_n3A_280 = arith.select %eq3A_277, %concatenate3A_272, %broadcast_in_dim3A_279 : vector<256x10xi1>, vector<256x10xf32>
      %reduce_min3A_281 = arith.constant dense<0x7F800000> : vector<256xf32>
      %reduce_min3A_282 = vector.multi_reduction <minimumf>, %select_n3A_280, %reduce_min3A_281 [1] : vector<256x10xf32> to vector<256xf32>
      %broadcast_in_dim3A_283 = vector.shape_cast %reduce_min3A_282 : vector<256xf32> to vector<256x1xf32>
      %eq3A_284 = vector.broadcast %broadcast_in_dim3A_275 : vector<256x1xf32> to vector<256x10xf32>
      %eq3A_285 = arith.cmpf oeq, %concatenate3A_270, %eq3A_284 : vector<256x10xf32>
      %eq3A_286 = vector.broadcast %broadcast_in_dim3A_283 : vector<256x1xf32> to vector<256x10xf32>
      %eq3A_287 = arith.cmpf oeq, %concatenate3A_272, %eq3A_286 : vector<256x10xf32>
      %and3A_288 = arith.andi %eq3A_285, %eq3A_287 : vector<256x10xi1>
      %jit3A_289 = arith.constant 3.000000e+38 : f32
      %broadcast_in_dim3A_290 = vector.broadcast %jit3A_289 : f32 to vector<256x10xf32>
      %select_n3A_291 = arith.select %and3A_288, %broadcast_in_dim3A_290, %concatenate3A_270 : vector<256x10xi1>, vector<256x10xf32>
      %reduce_min3A_292 = arith.constant dense<0x7F800000> : vector<256xf32>
      %reduce_min3A_293 = vector.multi_reduction <minimumf>, %select_n3A_291, %reduce_min3A_292 [1] : vector<256x10xf32> to vector<256xf32>
      %broadcast_in_dim3A_294 = vector.shape_cast %reduce_min3A_293 : vector<256xf32> to vector<256x1xf32>
      %eq3A_295 = vector.broadcast %broadcast_in_dim3A_294 : vector<256x1xf32> to vector<256x10xf32>
      %eq3A_296 = arith.cmpf oeq, %select_n3A_291, %eq3A_295 : vector<256x10xf32>
      %jit3A_297 = arith.constant 3.000000e+38 : f32
      %broadcast_in_dim3A_298 = vector.broadcast %jit3A_297 : f32 to vector<256x10xf32>
      %select_n3A_299 = arith.select %eq3A_296, %concatenate3A_272, %broadcast_in_dim3A_298 : vector<256x10xi1>, vector<256x10xf32>
      %reduce_min3A_300 = arith.constant dense<0x7F800000> : vector<256xf32>
      %reduce_min3A_301 = vector.multi_reduction <minimumf>, %select_n3A_299, %reduce_min3A_300 [1] : vector<256x10xf32> to vector<256xf32>
      %broadcast_in_dim3A_302 = vector.shape_cast %reduce_min3A_301 : vector<256xf32> to vector<256x1xf32>
      %eq3A_303 = vector.broadcast %broadcast_in_dim3A_294 : vector<256x1xf32> to vector<256x10xf32>
      %eq3A_304 = arith.cmpf oeq, %select_n3A_291, %eq3A_303 : vector<256x10xf32>
      %eq3A_305 = vector.broadcast %broadcast_in_dim3A_302 : vector<256x1xf32> to vector<256x10xf32>
      %eq3A_306 = arith.cmpf oeq, %concatenate3A_272, %eq3A_305 : vector<256x10xf32>
      %and3A_307 = arith.andi %eq3A_304, %eq3A_306 : vector<256x10xi1>
      %jit3A_308 = arith.constant 3.000000e+38 : f32
      %broadcast_in_dim3A_309 = vector.broadcast %jit3A_308 : f32 to vector<256x10xf32>
      %select_n3A_310 = arith.select %and3A_307, %broadcast_in_dim3A_309, %select_n3A_291 : vector<256x10xi1>, vector<256x10xf32>
      %reduce_min3A_311 = arith.constant dense<0x7F800000> : vector<256xf32>
      %reduce_min3A_312 = vector.multi_reduction <minimumf>, %select_n3A_310, %reduce_min3A_311 [1] : vector<256x10xf32> to vector<256xf32>
      %broadcast_in_dim3A_313 = vector.shape_cast %reduce_min3A_312 : vector<256xf32> to vector<256x1xf32>
      %eq3A_314 = vector.broadcast %broadcast_in_dim3A_313 : vector<256x1xf32> to vector<256x10xf32>
      %eq3A_315 = arith.cmpf oeq, %select_n3A_310, %eq3A_314 : vector<256x10xf32>
      %jit3A_316 = arith.constant 3.000000e+38 : f32
      %broadcast_in_dim3A_317 = vector.broadcast %jit3A_316 : f32 to vector<256x10xf32>
      %select_n3A_318 = arith.select %eq3A_315, %concatenate3A_272, %broadcast_in_dim3A_317 : vector<256x10xi1>, vector<256x10xf32>
      %reduce_min3A_319 = arith.constant dense<0x7F800000> : vector<256xf32>
      %reduce_min3A_320 = vector.multi_reduction <minimumf>, %select_n3A_318, %reduce_min3A_319 [1] : vector<256x10xf32> to vector<256xf32>
      %broadcast_in_dim3A_321 = vector.shape_cast %reduce_min3A_320 : vector<256xf32> to vector<256x1xf32>
      %eq3A_322 = vector.broadcast %broadcast_in_dim3A_313 : vector<256x1xf32> to vector<256x10xf32>
      %eq3A_323 = arith.cmpf oeq, %select_n3A_310, %eq3A_322 : vector<256x10xf32>
      %eq3A_324 = vector.broadcast %broadcast_in_dim3A_321 : vector<256x1xf32> to vector<256x10xf32>
      %eq3A_325 = arith.cmpf oeq, %concatenate3A_272, %eq3A_324 : vector<256x10xf32>
      %and3A_326 = arith.andi %eq3A_323, %eq3A_325 : vector<256x10xi1>
      %jit3A_327 = arith.constant 3.000000e+38 : f32
      %broadcast_in_dim3A_328 = vector.broadcast %jit3A_327 : f32 to vector<256x10xf32>
      %select_n3A_329 = arith.select %and3A_326, %broadcast_in_dim3A_328, %select_n3A_310 : vector<256x10xi1>, vector<256x10xf32>
      %reduce_min3A_330 = arith.constant dense<0x7F800000> : vector<256xf32>
      %reduce_min3A_331 = vector.multi_reduction <minimumf>, %select_n3A_329, %reduce_min3A_330 [1] : vector<256x10xf32> to vector<256xf32>
      %broadcast_in_dim3A_332 = vector.shape_cast %reduce_min3A_331 : vector<256xf32> to vector<256x1xf32>
      %eq3A_333 = vector.broadcast %broadcast_in_dim3A_332 : vector<256x1xf32> to vector<256x10xf32>
      %eq3A_334 = arith.cmpf oeq, %select_n3A_329, %eq3A_333 : vector<256x10xf32>
      %jit3A_335 = arith.constant 3.000000e+38 : f32
      %broadcast_in_dim3A_336 = vector.broadcast %jit3A_335 : f32 to vector<256x10xf32>
      %select_n3A_337 = arith.select %eq3A_334, %concatenate3A_272, %broadcast_in_dim3A_336 : vector<256x10xi1>, vector<256x10xf32>
      %reduce_min3A_338 = arith.constant dense<0x7F800000> : vector<256xf32>
      %reduce_min3A_339 = vector.multi_reduction <minimumf>, %select_n3A_337, %reduce_min3A_338 [1] : vector<256x10xf32> to vector<256xf32>
      %broadcast_in_dim3A_340 = vector.shape_cast %reduce_min3A_339 : vector<256xf32> to vector<256x1xf32>
      %eq3A_341 = vector.broadcast %broadcast_in_dim3A_332 : vector<256x1xf32> to vector<256x10xf32>
      %eq3A_342 = arith.cmpf oeq, %select_n3A_329, %eq3A_341 : vector<256x10xf32>
      %eq3A_343 = vector.broadcast %broadcast_in_dim3A_340 : vector<256x1xf32> to vector<256x10xf32>
      %eq3A_344 = arith.cmpf oeq, %concatenate3A_272, %eq3A_343 : vector<256x10xf32>
      %and3A_345 = arith.andi %eq3A_342, %eq3A_344 : vector<256x10xi1>
      %jit3A_346 = arith.constant 3.000000e+38 : f32
      %broadcast_in_dim3A_347 = vector.broadcast %jit3A_346 : f32 to vector<256x10xf32>
      %select_n3A_348 = arith.select %and3A_345, %broadcast_in_dim3A_347, %select_n3A_329 : vector<256x10xi1>, vector<256x10xf32>
      %reduce_min3A_349 = arith.constant dense<0x7F800000> : vector<256xf32>
      %reduce_min3A_350 = vector.multi_reduction <minimumf>, %select_n3A_348, %reduce_min3A_349 [1] : vector<256x10xf32> to vector<256xf32>
      %broadcast_in_dim3A_351 = vector.shape_cast %reduce_min3A_350 : vector<256xf32> to vector<256x1xf32>
      %eq3A_352 = vector.broadcast %broadcast_in_dim3A_351 : vector<256x1xf32> to vector<256x10xf32>
      %eq3A_353 = arith.cmpf oeq, %select_n3A_348, %eq3A_352 : vector<256x10xf32>
      %jit3A_354 = arith.constant 3.000000e+38 : f32
      %broadcast_in_dim3A_355 = vector.broadcast %jit3A_354 : f32 to vector<256x10xf32>
      %select_n3A_356 = arith.select %eq3A_353, %concatenate3A_272, %broadcast_in_dim3A_355 : vector<256x10xi1>, vector<256x10xf32>
      %reduce_min3A_357 = arith.constant dense<0x7F800000> : vector<256xf32>
      %reduce_min3A_358 = vector.multi_reduction <minimumf>, %select_n3A_356, %reduce_min3A_357 [1] : vector<256x10xf32> to vector<256xf32>
      %broadcast_in_dim3A_359 = vector.shape_cast %reduce_min3A_358 : vector<256xf32> to vector<256x1xf32>
      %eq3A_360 = vector.broadcast %broadcast_in_dim3A_351 : vector<256x1xf32> to vector<256x10xf32>
      %eq3A_361 = arith.cmpf oeq, %select_n3A_348, %eq3A_360 : vector<256x10xf32>
      %eq3A_362 = vector.broadcast %broadcast_in_dim3A_359 : vector<256x1xf32> to vector<256x10xf32>
      %eq3A_363 = arith.cmpf oeq, %concatenate3A_272, %eq3A_362 : vector<256x10xf32>
      %and3A_364 = arith.andi %eq3A_361, %eq3A_363 : vector<256x10xi1>
      %jit3A_365 = arith.constant 3.000000e+38 : f32
      %broadcast_in_dim3A_366 = vector.broadcast %jit3A_365 : f32 to vector<256x10xf32>
      %select_n3A_367 = arith.select %and3A_364, %broadcast_in_dim3A_366, %select_n3A_348 : vector<256x10xi1>, vector<256x10xf32>
      %broadcast_in_dim3A_368 = arith.constant 3.000000e+38 : f32
      %broadcast_in_dim3A_369 = vector.broadcast %broadcast_in_dim3A_368 : f32 to vector<256x3xf32>
      %concatenate3A_370 = tpu.concatenate %broadcast_in_dim3A_275, %broadcast_in_dim3A_294, %broadcast_in_dim3A_313, %broadcast_in_dim3A_332, %broadcast_in_dim3A_351, %broadcast_in_dim3A_369 in 1 : vector<256x1xf32>, vector<256x1xf32>, vector<256x1xf32>, vector<256x1xf32>, vector<256x1xf32>, vector<256x3xf32> -> vector<256x8xf32>
      %concatenate3A_371 = tpu.concatenate %broadcast_in_dim3A_283, %broadcast_in_dim3A_302, %broadcast_in_dim3A_321, %broadcast_in_dim3A_340, %broadcast_in_dim3A_359, %broadcast_in_dim3A_369 in 1 : vector<256x1xf32>, vector<256x1xf32>, vector<256x1xf32>, vector<256x1xf32>, vector<256x1xf32>, vector<256x3xf32> -> vector<256x8xf32>
      scf.yield %concatenate3A_370, %concatenate3A_371 : vector<256x8xf32>, vector<256x8xf32>
    }
    %min3A = arith.constant 1.023900e+04 : f32
    %min3A_139 = vector.broadcast %min3A : f32 to vector<256x8xf32>
    %min3A_140 = arith.minimumf %while3A_138#1, %min3A_139 : vector<256x8xf32>
    %convert_element_type3A_141 = arith.fptosi %min3A_140 : vector<256x8xf32> to vector<256x8xi32>
    %swap3A = arith.constant 0 : index
    %swap3A_142 = arith.constant 0 : index
    %swap3A_143 = vector.load %arg7[%swap3A, %swap3A_142] : memref<256x8xi32, #tpu.memory_space<vmem>>, vector<256x8xi32>
    tpu.vector_store %arg7[%swap3A, %swap3A_142], %convert_element_type3A_141 {strides = array<i32>} : memref<256x8xi32, #tpu.memory_space<vmem>>, vector<256x8xi32>,
    return
  }
  func.func @transform_0(%arg0: i32) -> i32 {
    %c0_i32 = arith.constant 0 : i32
    %c0_i32_0 = arith.constant 0 : i32
    return %c0_i32 : i32
  }
  func.func @transform_1(%arg0: i32) -> i32 {
    %c0_i32 = arith.constant 0 : i32
    %c0_i32_0 = arith.constant 0 : i32
    return %c0_i32 : i32
  }
  func.func @transform_2(%arg0: i32) -> (i32, i32) {
    %c0_i32 = arith.constant 0 : i32
    %c0_i32_0 = arith.constant 0 : i32
    return %arg0, %c0_i32 : i32, i32
  }
  func.func @transform_3(%arg0: i32) -> (i32, i32) {
    %c0_i32 = arith.constant 0 : i32
    %c0_i32_0 = arith.constant 0 : i32
    %c0_i32_1 = arith.constant 0 : i32
    return %c0_i32, %c0_i32_0 : i32, i32
  }
  func.func @transform_4(%arg0: i32) -> (i32, i32) {
    %c0_i32 = arith.constant 0 : i32
    %c0_i32_0 = arith.constant 0 : i32
    return %arg0, %c0_i32 : i32, i32
  }
  func.func @transform_5(%arg0: i32) -> (i32, i32) {
    %c0_i32 = arith.constant 0 : i32
    %c0_i32_0 = arith.constant 0 : i32
    %c0_i32_1 = arith.constant 0 : i32
    return %c0_i32, %c0_i32_0 : i32, i32
  }
  func.func @transform_6(%arg0: i32) -> (i32, i32) {
    %c0_i32 = arith.constant 0 : i32
    %c0_i32_0 = arith.constant 0 : i32
    return %arg0, %c0_i32 : i32, i32
  }
}

module attributes {stable_mosaic.version = 14 : i64} {
  func.func @body(%arg0: memref<1x1xf32, #tpu.memory_space<smem>>, %arg1: memref<10240x128xf32, #tpu.memory_space<vmem>>, %arg2: memref<10240x128xf32, #tpu.memory_space<vmem>>, %arg3: memref<10240x8xi32, #tpu.memory_space<vmem>>, %arg4: memref<16x8xf32, #tpu.memory_space<vmem>>, %arg5: memref<128x128xf32, #tpu.memory_space<vmem>>, %arg6: memref<8x128xf32, #tpu.memory_space<vmem>>, %arg7: memref<1x128xf32, #tpu.memory_space<vmem>>, %arg8: memref<1x128xf32, #tpu.memory_space<vmem>>, %arg9: memref<128x128xf32, #tpu.memory_space<vmem>>, %arg10: memref<1x128xf32, #tpu.memory_space<vmem>>, %arg11: memref<1x128xf32, #tpu.memory_space<vmem>>, %arg12: memref<10240x128xf32, #tpu.memory_space<vmem>>) attributes {dimension_semantics = [], scalar_prefetch = 0 : i64, scratch_operands = 0 : i64, tpu.core_type = #tpu.core_type<tc>} {
    %get3A = arith.constant 0 : index
    %get3A_0 = arith.constant 0 : index
    %get3A_1 = memref.load %arg0[%get3A, %get3A_0] : memref<1x1xf32, #tpu.memory_space<smem>>
    %iota3A = tpu.iota {dimensions = array<i32: 0>} : vector<10240x1xi32>
    %lt3A = arith.constant 10000 : i32
    %lt3A_2 = vector.broadcast %lt3A : i32 to vector<10240x1xi32>
    %lt3A_3 = arith.cmpi slt, %iota3A, %lt3A_2 : vector<10240x1xi32>
    %convert_element_type3A = arith.extui %lt3A_3 : vector<10240x1xi1> to vector<10240x1xi32>
    %convert_element_type3A_4 = arith.sitofp %convert_element_type3A : vector<10240x1xi32> to vector<10240x1xf32>
    %get3A_5 = arith.constant 0 : index
    %get3A_6 = arith.constant 0 : index
    %get3A_7 = vector.load %arg3[%get3A_5, %get3A_6] : memref<10240x8xi32, #tpu.memory_space<vmem>>, vector<10240x1xi32>
    %iota3A_8 = tpu.iota {dimensions = array<i32: 1>} : vector<1x16xi32>
    %eq3A = vector.broadcast %get3A_7 : vector<10240x1xi32> to vector<10240x16xi32>
    %eq3A_9 = vector.broadcast %iota3A_8 : vector<1x16xi32> to vector<10240x16xi32>
    %eq3A_10 = arith.cmpi eq, %eq3A, %eq3A_9 : vector<10240x16xi32>
    %convert_element_type3A_11 = arith.extui %eq3A_10 : vector<10240x16xi1> to vector<10240x16xi32>
    %convert_element_type3A_12 = arith.sitofp %convert_element_type3A_11 : vector<10240x16xi32> to vector<10240x16xf32>
    %get3A_13 = arith.constant 0 : index
    %get3A_14 = arith.constant 0 : index
    %get3A_15 = vector.load %arg1[%get3A_13, %get3A_14] : memref<10240x128xf32, #tpu.memory_space<vmem>>, vector<10240x128xf32>
    %get3A_16 = arith.constant 0 : index
    %get3A_17 = arith.constant 0 : index
    %get3A_18 = vector.load %arg2[%get3A_16, %get3A_17] : memref<10240x128xf32, #tpu.memory_space<vmem>>, vector<10240x128xf32>
    %get3A_19 = arith.constant 0 : index
    %get3A_20 = arith.constant 0 : index
    %get3A_21 = vector.load %arg4[%get3A_19, %get3A_20] : memref<16x8xf32, #tpu.memory_space<vmem>>, vector<16x8xf32>
    %get3A_22 = arith.constant 0 : index
    %get3A_23 = arith.constant 0 : index
    %get3A_24 = vector.load %arg5[%get3A_22, %get3A_23] : memref<128x128xf32, #tpu.memory_space<vmem>>, vector<128x128xf32>
    %get3A_25 = arith.constant 0 : index
    %get3A_26 = arith.constant 0 : index
    %get3A_27 = vector.load %arg6[%get3A_25, %get3A_26] : memref<8x128xf32, #tpu.memory_space<vmem>>, vector<8x128xf32>
    %get3A_28 = arith.constant 0 : index
    %get3A_29 = arith.constant 0 : index
    %get3A_30 = vector.load %arg7[%get3A_28, %get3A_29] : memref<1x128xf32, #tpu.memory_space<vmem>>, vector<1x128xf32>
    %get3A_31 = arith.constant 0 : index
    %get3A_32 = arith.constant 0 : index
    %get3A_33 = vector.load %arg8[%get3A_31, %get3A_32] : memref<1x128xf32, #tpu.memory_space<vmem>>, vector<1x128xf32>
    %get3A_34 = arith.constant 0 : index
    %get3A_35 = arith.constant 0 : index
    %get3A_36 = vector.load %arg9[%get3A_34, %get3A_35] : memref<128x128xf32, #tpu.memory_space<vmem>>, vector<128x128xf32>
    %add3A = arith.constant 1.000000e+00 : f32
    %add3A_37 = arith.addf %add3A, %get3A_1 : f32
    %mul3A = vector.broadcast %add3A_37 : f32 to vector<10240x128xf32>
    %mul3A_38 = arith.mulf %mul3A, %get3A_15 : vector<10240x128xf32>
    %add3A_39 = arith.addf %mul3A_38, %get3A_18 : vector<10240x128xf32>
    %dot_general3A = arith.constant dense<0.000000e+00> : vector<16x128xf32>
    %dot_general3A_40 = tpu.matmul %get3A_21, %get3A_27, %dot_general3A {dimension_numbers = #tpu.dot_dimension_numbers<[1], [0], [0], [1], [0, 0, 1, 1], [], []>, transpose_lhs_hint = false} : vector<16x8xf32>, vector<8x128xf32>, vector<16x128xf32> -> vector<16x128xf32>
    %dot_general3A_41 = arith.constant dense<0.000000e+00> : vector<10240x128xf32>
    %dot_general3A_42 = tpu.matmul %add3A_39, %get3A_24, %dot_general3A_41 {dimension_numbers = #tpu.dot_dimension_numbers<[1], [0], [0], [1], [0, 0, 1, 1], [], []>, transpose_lhs_hint = false} : vector<10240x128xf32>, vector<128x128xf32>, vector<10240x128xf32> -> vector<10240x128xf32>
    %dot_general3A_43 = arith.constant dense<0.000000e+00> : vector<10240x128xf32>
    %dot_general3A_44 = tpu.matmul %convert_element_type3A_12, %dot_general3A_40, %dot_general3A_43 {dimension_numbers = #tpu.dot_dimension_numbers<[1], [0], [0], [1], [0, 0, 1, 1], [], []>, transpose_lhs_hint = false} : vector<10240x16xf32>, vector<16x128xf32>, vector<10240x128xf32> -> vector<10240x128xf32>
    %add3A_45 = arith.addf %dot_general3A_42, %dot_general3A_44 : vector<10240x128xf32>
    %mul3A_46 = vector.broadcast %convert_element_type3A_4 : vector<10240x1xf32> to vector<10240x128xf32>
    %mul3A_47 = arith.mulf %add3A_45, %mul3A_46 : vector<10240x128xf32>
    %reduce_sum3A = arith.constant dense<0.000000e+00> : vector<128xf32>
    %reduce_sum3A_48 = vector.multi_reduction <add>, %mul3A_47, %reduce_sum3A [0] : vector<10240x128xf32> to vector<128xf32>
    %broadcast_in_dim3A = vector.shape_cast %reduce_sum3A_48 : vector<128xf32> to vector<1x128xf32>
    %mul3A_49 = arith.constant 9.99999974E-5 : f32
    %mul3A_50 = vector.broadcast %mul3A_49 : f32 to vector<1x128xf32>
    %mul3A_51 = arith.mulf %broadcast_in_dim3A, %mul3A_50 : vector<1x128xf32>
    %mul3A_52 = arith.mulf %mul3A_47, %add3A_45 : vector<10240x128xf32>
    %reduce_sum3A_53 = arith.constant dense<0.000000e+00> : vector<128xf32>
    %reduce_sum3A_54 = vector.multi_reduction <add>, %mul3A_52, %reduce_sum3A_53 [0] : vector<10240x128xf32> to vector<128xf32>
    %broadcast_in_dim3A_55 = vector.shape_cast %reduce_sum3A_54 : vector<128xf32> to vector<1x128xf32>
    %mul3A_56 = arith.constant 9.99999974E-5 : f32
    %mul3A_57 = vector.broadcast %mul3A_56 : f32 to vector<1x128xf32>
    %mul3A_58 = arith.mulf %broadcast_in_dim3A_55, %mul3A_57 : vector<1x128xf32>
    %mul3A_59 = arith.mulf %mul3A_51, %mul3A_51 : vector<1x128xf32>
    %sub3A = arith.subf %mul3A_58, %mul3A_59 : vector<1x128xf32>
    %add3A_60 = arith.constant 9.99999974E-6 : f32
    %add3A_61 = vector.broadcast %add3A_60 : f32 to vector<1x128xf32>
    %add3A_62 = arith.addf %sub3A, %add3A_61 : vector<1x128xf32>
    %rsqrt3A = math.rsqrt %add3A_62 : vector<1x128xf32>
    %sub3A_63 = vector.broadcast %mul3A_51 : vector<1x128xf32> to vector<10240x128xf32>
    %sub3A_64 = arith.subf %add3A_45, %sub3A_63 : vector<10240x128xf32>
    %mul3A_65 = vector.broadcast %rsqrt3A : vector<1x128xf32> to vector<10240x128xf32>
    %mul3A_66 = arith.mulf %sub3A_64, %mul3A_65 : vector<10240x128xf32>
    %mul3A_67 = vector.broadcast %get3A_30 : vector<1x128xf32> to vector<10240x128xf32>
    %mul3A_68 = arith.mulf %mul3A_66, %mul3A_67 : vector<10240x128xf32>
    %add3A_69 = vector.broadcast %get3A_33 : vector<1x128xf32> to vector<10240x128xf32>
    %add3A_70 = arith.addf %mul3A_68, %add3A_69 : vector<10240x128xf32>
    %max3A = arith.constant 0.000000e+00 : f32
    %max3A_71 = vector.broadcast %max3A : f32 to vector<10240x128xf32>
    %max3A_72 = arith.maximumf %add3A_70, %max3A_71 : vector<10240x128xf32>
    %dot_general3A_73 = arith.constant dense<0.000000e+00> : vector<10240x128xf32>
    %dot_general3A_74 = tpu.matmul %max3A_72, %get3A_36, %dot_general3A_73 {dimension_numbers = #tpu.dot_dimension_numbers<[1], [0], [0], [1], [0, 0, 1, 1], [], []>, transpose_lhs_hint = false} : vector<10240x128xf32>, vector<128x128xf32>, vector<10240x128xf32> -> vector<10240x128xf32>
    %mul3A_75 = vector.broadcast %convert_element_type3A_4 : vector<10240x1xf32> to vector<10240x128xf32>
    %mul3A_76 = arith.mulf %dot_general3A_74, %mul3A_75 : vector<10240x128xf32>
    %reduce_sum3A_77 = arith.constant dense<0.000000e+00> : vector<128xf32>
    %reduce_sum3A_78 = vector.multi_reduction <add>, %mul3A_76, %reduce_sum3A_77 [0] : vector<10240x128xf32> to vector<128xf32>
    %broadcast_in_dim3A_79 = vector.shape_cast %reduce_sum3A_78 : vector<128xf32> to vector<1x128xf32>
    %mul3A_80 = arith.constant 9.99999974E-5 : f32
    %mul3A_81 = vector.broadcast %mul3A_80 : f32 to vector<1x128xf32>
    %mul3A_82 = arith.mulf %broadcast_in_dim3A_79, %mul3A_81 : vector<1x128xf32>
    %mul3A_83 = arith.mulf %mul3A_76, %dot_general3A_74 : vector<10240x128xf32>
    %reduce_sum3A_84 = arith.constant dense<0.000000e+00> : vector<128xf32>
    %reduce_sum3A_85 = vector.multi_reduction <add>, %mul3A_83, %reduce_sum3A_84 [0] : vector<10240x128xf32> to vector<128xf32>
    %broadcast_in_dim3A_86 = vector.shape_cast %reduce_sum3A_85 : vector<128xf32> to vector<1x128xf32>
    %mul3A_87 = arith.constant 9.99999974E-5 : f32
    %mul3A_88 = vector.broadcast %mul3A_87 : f32 to vector<1x128xf32>
    %mul3A_89 = arith.mulf %broadcast_in_dim3A_86, %mul3A_88 : vector<1x128xf32>
    %mul3A_90 = arith.mulf %mul3A_82, %mul3A_82 : vector<1x128xf32>
    %sub3A_91 = arith.subf %mul3A_89, %mul3A_90 : vector<1x128xf32>
    %add3A_92 = arith.constant 9.99999974E-6 : f32
    %add3A_93 = vector.broadcast %add3A_92 : f32 to vector<1x128xf32>
    %add3A_94 = arith.addf %sub3A_91, %add3A_93 : vector<1x128xf32>
    %rsqrt3A_95 = math.rsqrt %add3A_94 : vector<1x128xf32>
    %sub3A_96 = vector.broadcast %mul3A_82 : vector<1x128xf32> to vector<10240x128xf32>
    %sub3A_97 = arith.subf %dot_general3A_74, %sub3A_96 : vector<10240x128xf32>
    %mul3A_98 = vector.broadcast %rsqrt3A_95 : vector<1x128xf32> to vector<10240x128xf32>
    %mul3A_99 = arith.mulf %sub3A_97, %mul3A_98 : vector<10240x128xf32>
    %get3A_100 = arith.constant 0 : index
    %get3A_101 = arith.constant 0 : index
    %get3A_102 = vector.load %arg10[%get3A_100, %get3A_101] : memref<1x128xf32, #tpu.memory_space<vmem>>, vector<1x128xf32>
    %mul3A_103 = vector.broadcast %get3A_102 : vector<1x128xf32> to vector<10240x128xf32>
    %mul3A_104 = arith.mulf %mul3A_99, %mul3A_103 : vector<10240x128xf32>
    %get3A_105 = arith.constant 0 : index
    %get3A_106 = arith.constant 0 : index
    %get3A_107 = vector.load %arg11[%get3A_105, %get3A_106] : memref<1x128xf32, #tpu.memory_space<vmem>>, vector<1x128xf32>
    %add3A_108 = vector.broadcast %get3A_107 : vector<1x128xf32> to vector<10240x128xf32>
    %add3A_109 = arith.addf %mul3A_104, %add3A_108 : vector<10240x128xf32>
    %max3A_110 = arith.constant 0.000000e+00 : f32
    %max3A_111 = vector.broadcast %max3A_110 : f32 to vector<10240x128xf32>
    %max3A_112 = arith.maximumf %add3A_109, %max3A_111 : vector<10240x128xf32>
    %swap3A = arith.constant 0 : index
    %swap3A_113 = arith.constant 0 : index
    %swap3A_114 = vector.load %arg12[%swap3A, %swap3A_113] : memref<10240x128xf32, #tpu.memory_space<vmem>>, vector<10240x128xf32>
    tpu.vector_store %arg12[%swap3A, %swap3A_113], %max3A_112 {strides = array<i32>} : memref<10240x128xf32, #tpu.memory_space<vmem>>, vector<10240x128xf32>,
    return
  }
}

module attributes {stable_mosaic.version = 14 : i64} {
  func.func @body(%arg0: memref<1x1xf32, #tpu.memory_space<smem>>, %arg1: memref<10240x128xf32, #tpu.memory_space<vmem>>, %arg2: memref<10240x128xf32, #tpu.memory_space<vmem>>, %arg3: memref<10240x8xi32, #tpu.memory_space<vmem>>, %arg4: memref<16x8xf32, #tpu.memory_space<vmem>>, %arg5: memref<128x128xf32, #tpu.memory_space<vmem>>, %arg6: memref<8x128xf32, #tpu.memory_space<vmem>>, %arg7: memref<1x128xf32, #tpu.memory_space<vmem>>, %arg8: memref<1x128xf32, #tpu.memory_space<vmem>>, %arg9: memref<128x128xf32, #tpu.memory_space<vmem>>, %arg10: memref<1x128xf32, #tpu.memory_space<vmem>>, %arg11: memref<1x128xf32, #tpu.memory_space<vmem>>, %arg12: memref<128x128xf32, #tpu.memory_space<vmem>>, %arg13: memref<1x128xf32, #tpu.memory_space<vmem>>, %arg14: memref<1x128xf32, #tpu.memory_space<vmem>>, %arg15: memref<1x128xf32, #tpu.memory_space<vmem>>, %arg16: memref<128x128xf32, #tpu.memory_space<vmem>>, %arg17: memref<1x128xf32, #tpu.memory_space<vmem>>, %arg18: memref<10240x128xf32, #tpu.memory_space<vmem>>) attributes {dimension_semantics = [], scalar_prefetch = 0 : i64, scratch_operands = 0 : i64, tpu.core_type = #tpu.core_type<tc>} {
    %get3A = arith.constant 0 : index
    %get3A_0 = arith.constant 0 : index
    %get3A_1 = memref.load %arg0[%get3A, %get3A_0] : memref<1x1xf32, #tpu.memory_space<smem>>
    %iota3A = tpu.iota {dimensions = array<i32: 0>} : vector<10240x1xi32>
    %lt3A = arith.constant 10000 : i32
    %lt3A_2 = vector.broadcast %lt3A : i32 to vector<10240x1xi32>
    %lt3A_3 = arith.cmpi slt, %iota3A, %lt3A_2 : vector<10240x1xi32>
    %convert_element_type3A = arith.extui %lt3A_3 : vector<10240x1xi1> to vector<10240x1xi32>
    %convert_element_type3A_4 = arith.sitofp %convert_element_type3A : vector<10240x1xi32> to vector<10240x1xf32>
    %get3A_5 = arith.constant 0 : index
    %get3A_6 = arith.constant 0 : index
    %get3A_7 = vector.load %arg3[%get3A_5, %get3A_6] : memref<10240x8xi32, #tpu.memory_space<vmem>>, vector<10240x1xi32>
    %iota3A_8 = tpu.iota {dimensions = array<i32: 1>} : vector<1x16xi32>
    %eq3A = vector.broadcast %get3A_7 : vector<10240x1xi32> to vector<10240x16xi32>
    %eq3A_9 = vector.broadcast %iota3A_8 : vector<1x16xi32> to vector<10240x16xi32>
    %eq3A_10 = arith.cmpi eq, %eq3A, %eq3A_9 : vector<10240x16xi32>
    %convert_element_type3A_11 = arith.extui %eq3A_10 : vector<10240x16xi1> to vector<10240x16xi32>
    %convert_element_type3A_12 = arith.sitofp %convert_element_type3A_11 : vector<10240x16xi32> to vector<10240x16xf32>
    %get3A_13 = arith.constant 0 : index
    %get3A_14 = arith.constant 0 : index
    %get3A_15 = vector.load %arg1[%get3A_13, %get3A_14] : memref<10240x128xf32, #tpu.memory_space<vmem>>, vector<10240x128xf32>
    %get3A_16 = arith.constant 0 : index
    %get3A_17 = arith.constant 0 : index
    %get3A_18 = vector.load %arg2[%get3A_16, %get3A_17] : memref<10240x128xf32, #tpu.memory_space<vmem>>, vector<10240x128xf32>
    %get3A_19 = arith.constant 0 : index
    %get3A_20 = arith.constant 0 : index
    %get3A_21 = vector.load %arg4[%get3A_19, %get3A_20] : memref<16x8xf32, #tpu.memory_space<vmem>>, vector<16x8xf32>
    %get3A_22 = arith.constant 0 : index
    %get3A_23 = arith.constant 0 : index
    %get3A_24 = vector.load %arg5[%get3A_22, %get3A_23] : memref<128x128xf32, #tpu.memory_space<vmem>>, vector<128x128xf32>
    %get3A_25 = arith.constant 0 : index
    %get3A_26 = arith.constant 0 : index
    %get3A_27 = vector.load %arg6[%get3A_25, %get3A_26] : memref<8x128xf32, #tpu.memory_space<vmem>>, vector<8x128xf32>
    %get3A_28 = arith.constant 0 : index
    %get3A_29 = arith.constant 0 : index
    %get3A_30 = vector.load %arg7[%get3A_28, %get3A_29] : memref<1x128xf32, #tpu.memory_space<vmem>>, vector<1x128xf32>
    %get3A_31 = arith.constant 0 : index
    %get3A_32 = arith.constant 0 : index
    %get3A_33 = vector.load %arg8[%get3A_31, %get3A_32] : memref<1x128xf32, #tpu.memory_space<vmem>>, vector<1x128xf32>
    %get3A_34 = arith.constant 0 : index
    %get3A_35 = arith.constant 0 : index
    %get3A_36 = vector.load %arg9[%get3A_34, %get3A_35] : memref<128x128xf32, #tpu.memory_space<vmem>>, vector<128x128xf32>
    %add3A = arith.constant 1.000000e+00 : f32
    %add3A_37 = arith.addf %add3A, %get3A_1 : f32
    %mul3A = vector.broadcast %add3A_37 : f32 to vector<10240x128xf32>
    %mul3A_38 = arith.mulf %mul3A, %get3A_15 : vector<10240x128xf32>
    %add3A_39 = arith.addf %mul3A_38, %get3A_18 : vector<10240x128xf32>
    %dot_general3A = arith.constant dense<0.000000e+00> : vector<16x128xf32>
    %dot_general3A_40 = tpu.matmul %get3A_21, %get3A_27, %dot_general3A {dimension_numbers = #tpu.dot_dimension_numbers<[1], [0], [0], [1], [0, 0, 1, 1], [], []>, transpose_lhs_hint = false} : vector<16x8xf32>, vector<8x128xf32>, vector<16x128xf32> -> vector<16x128xf32>
    %dot_general3A_41 = arith.constant dense<0.000000e+00> : vector<10240x128xf32>
    %dot_general3A_42 = tpu.matmul %add3A_39, %get3A_24, %dot_general3A_41 {dimension_numbers = #tpu.dot_dimension_numbers<[1], [0], [0], [1], [0, 0, 1, 1], [], []>, transpose_lhs_hint = false} : vector<10240x128xf32>, vector<128x128xf32>, vector<10240x128xf32> -> vector<10240x128xf32>
    %dot_general3A_43 = arith.constant dense<0.000000e+00> : vector<10240x128xf32>
    %dot_general3A_44 = tpu.matmul %convert_element_type3A_12, %dot_general3A_40, %dot_general3A_43 {dimension_numbers = #tpu.dot_dimension_numbers<[1], [0], [0], [1], [0, 0, 1, 1], [], []>, transpose_lhs_hint = false} : vector<10240x16xf32>, vector<16x128xf32>, vector<10240x128xf32> -> vector<10240x128xf32>
    %add3A_45 = arith.addf %dot_general3A_42, %dot_general3A_44 : vector<10240x128xf32>
    %mul3A_46 = vector.broadcast %convert_element_type3A_4 : vector<10240x1xf32> to vector<10240x128xf32>
    %mul3A_47 = arith.mulf %add3A_45, %mul3A_46 : vector<10240x128xf32>
    %reduce_sum3A = arith.constant dense<0.000000e+00> : vector<128xf32>
    %reduce_sum3A_48 = vector.multi_reduction <add>, %mul3A_47, %reduce_sum3A [0] : vector<10240x128xf32> to vector<128xf32>
    %broadcast_in_dim3A = vector.shape_cast %reduce_sum3A_48 : vector<128xf32> to vector<1x128xf32>
    %mul3A_49 = arith.constant 9.99999974E-5 : f32
    %mul3A_50 = vector.broadcast %mul3A_49 : f32 to vector<1x128xf32>
    %mul3A_51 = arith.mulf %broadcast_in_dim3A, %mul3A_50 : vector<1x128xf32>
    %mul3A_52 = arith.mulf %mul3A_47, %add3A_45 : vector<10240x128xf32>
    %reduce_sum3A_53 = arith.constant dense<0.000000e+00> : vector<128xf32>
    %reduce_sum3A_54 = vector.multi_reduction <add>, %mul3A_52, %reduce_sum3A_53 [0] : vector<10240x128xf32> to vector<128xf32>
    %broadcast_in_dim3A_55 = vector.shape_cast %reduce_sum3A_54 : vector<128xf32> to vector<1x128xf32>
    %mul3A_56 = arith.constant 9.99999974E-5 : f32
    %mul3A_57 = vector.broadcast %mul3A_56 : f32 to vector<1x128xf32>
    %mul3A_58 = arith.mulf %broadcast_in_dim3A_55, %mul3A_57 : vector<1x128xf32>
    %mul3A_59 = arith.mulf %mul3A_51, %mul3A_51 : vector<1x128xf32>
    %sub3A = arith.subf %mul3A_58, %mul3A_59 : vector<1x128xf32>
    %add3A_60 = arith.constant 9.99999974E-6 : f32
    %add3A_61 = vector.broadcast %add3A_60 : f32 to vector<1x128xf32>
    %add3A_62 = arith.addf %sub3A, %add3A_61 : vector<1x128xf32>
    %rsqrt3A = math.rsqrt %add3A_62 : vector<1x128xf32>
    %sub3A_63 = vector.broadcast %mul3A_51 : vector<1x128xf32> to vector<10240x128xf32>
    %sub3A_64 = arith.subf %add3A_45, %sub3A_63 : vector<10240x128xf32>
    %mul3A_65 = vector.broadcast %rsqrt3A : vector<1x128xf32> to vector<10240x128xf32>
    %mul3A_66 = arith.mulf %sub3A_64, %mul3A_65 : vector<10240x128xf32>
    %mul3A_67 = vector.broadcast %get3A_30 : vector<1x128xf32> to vector<10240x128xf32>
    %mul3A_68 = arith.mulf %mul3A_66, %mul3A_67 : vector<10240x128xf32>
    %add3A_69 = vector.broadcast %get3A_33 : vector<1x128xf32> to vector<10240x128xf32>
    %add3A_70 = arith.addf %mul3A_68, %add3A_69 : vector<10240x128xf32>
    %max3A = arith.constant 0.000000e+00 : f32
    %max3A_71 = vector.broadcast %max3A : f32 to vector<10240x128xf32>
    %max3A_72 = arith.maximumf %add3A_70, %max3A_71 : vector<10240x128xf32>
    %dot_general3A_73 = arith.constant dense<0.000000e+00> : vector<10240x128xf32>
    %dot_general3A_74 = tpu.matmul %max3A_72, %get3A_36, %dot_general3A_73 {dimension_numbers = #tpu.dot_dimension_numbers<[1], [0], [0], [1], [0, 0, 1, 1], [], []>, transpose_lhs_hint = false} : vector<10240x128xf32>, vector<128x128xf32>, vector<10240x128xf32> -> vector<10240x128xf32>
    %mul3A_75 = vector.broadcast %convert_element_type3A_4 : vector<10240x1xf32> to vector<10240x128xf32>
    %mul3A_76 = arith.mulf %dot_general3A_74, %mul3A_75 : vector<10240x128xf32>
    %reduce_sum3A_77 = arith.constant dense<0.000000e+00> : vector<128xf32>
    %reduce_sum3A_78 = vector.multi_reduction <add>, %mul3A_76, %reduce_sum3A_77 [0] : vector<10240x128xf32> to vector<128xf32>
    %broadcast_in_dim3A_79 = vector.shape_cast %reduce_sum3A_78 : vector<128xf32> to vector<1x128xf32>
    %mul3A_80 = arith.constant 9.99999974E-5 : f32
    %mul3A_81 = vector.broadcast %mul3A_80 : f32 to vector<1x128xf32>
    %mul3A_82 = arith.mulf %broadcast_in_dim3A_79, %mul3A_81 : vector<1x128xf32>
    %mul3A_83 = arith.mulf %mul3A_76, %dot_general3A_74 : vector<10240x128xf32>
    %reduce_sum3A_84 = arith.constant dense<0.000000e+00> : vector<128xf32>
    %reduce_sum3A_85 = vector.multi_reduction <add>, %mul3A_83, %reduce_sum3A_84 [0] : vector<10240x128xf32> to vector<128xf32>
    %broadcast_in_dim3A_86 = vector.shape_cast %reduce_sum3A_85 : vector<128xf32> to vector<1x128xf32>
    %mul3A_87 = arith.constant 9.99999974E-5 : f32
    %mul3A_88 = vector.broadcast %mul3A_87 : f32 to vector<1x128xf32>
    %mul3A_89 = arith.mulf %broadcast_in_dim3A_86, %mul3A_88 : vector<1x128xf32>
    %mul3A_90 = arith.mulf %mul3A_82, %mul3A_82 : vector<1x128xf32>
    %sub3A_91 = arith.subf %mul3A_89, %mul3A_90 : vector<1x128xf32>
    %add3A_92 = arith.constant 9.99999974E-6 : f32
    %add3A_93 = vector.broadcast %add3A_92 : f32 to vector<1x128xf32>
    %add3A_94 = arith.addf %sub3A_91, %add3A_93 : vector<1x128xf32>
    %rsqrt3A_95 = math.rsqrt %add3A_94 : vector<1x128xf32>
    %sub3A_96 = vector.broadcast %mul3A_82 : vector<1x128xf32> to vector<10240x128xf32>
    %sub3A_97 = arith.subf %dot_general3A_74, %sub3A_96 : vector<10240x128xf32>
    %mul3A_98 = vector.broadcast %rsqrt3A_95 : vector<1x128xf32> to vector<10240x128xf32>
    %mul3A_99 = arith.mulf %sub3A_97, %mul3A_98 : vector<10240x128xf32>
    %get3A_100 = arith.constant 0 : index
    %get3A_101 = arith.constant 0 : index
    %get3A_102 = vector.load %arg10[%get3A_100, %get3A_101] : memref<1x128xf32, #tpu.memory_space<vmem>>, vector<1x128xf32>
    %mul3A_103 = vector.broadcast %get3A_102 : vector<1x128xf32> to vector<10240x128xf32>
    %mul3A_104 = arith.mulf %mul3A_99, %mul3A_103 : vector<10240x128xf32>
    %get3A_105 = arith.constant 0 : index
    %get3A_106 = arith.constant 0 : index
    %get3A_107 = vector.load %arg11[%get3A_105, %get3A_106] : memref<1x128xf32, #tpu.memory_space<vmem>>, vector<1x128xf32>
    %add3A_108 = vector.broadcast %get3A_107 : vector<1x128xf32> to vector<10240x128xf32>
    %add3A_109 = arith.addf %mul3A_104, %add3A_108 : vector<10240x128xf32>
    %max3A_110 = arith.constant 0.000000e+00 : f32
    %max3A_111 = vector.broadcast %max3A_110 : f32 to vector<10240x128xf32>
    %max3A_112 = arith.maximumf %add3A_109, %max3A_111 : vector<10240x128xf32>
    %add3A_113 = arith.addf %get3A_15, %max3A_112 : vector<10240x128xf32>
    %get3A_114 = arith.constant 0 : index
    %get3A_115 = arith.constant 0 : index
    %get3A_116 = vector.load %arg12[%get3A_114, %get3A_115] : memref<128x128xf32, #tpu.memory_space<vmem>>, vector<128x128xf32>
    %dot_general3A_117 = arith.constant dense<0.000000e+00> : vector<10240x128xf32>
    %dot_general3A_118 = tpu.matmul %add3A_113, %get3A_116, %dot_general3A_117 {dimension_numbers = #tpu.dot_dimension_numbers<[1], [0], [0], [1], [0, 0, 1, 1], [], []>, transpose_lhs_hint = false} : vector<10240x128xf32>, vector<128x128xf32>, vector<10240x128xf32> -> vector<10240x128xf32>
    %get3A_119 = arith.constant 0 : index
    %get3A_120 = arith.constant 0 : index
    %get3A_121 = vector.load %arg13[%get3A_119, %get3A_120] : memref<1x128xf32, #tpu.memory_space<vmem>>, vector<1x128xf32>
    %add3A_122 = vector.broadcast %get3A_121 : vector<1x128xf32> to vector<10240x128xf32>
    %add3A_123 = arith.addf %dot_general3A_118, %add3A_122 : vector<10240x128xf32>
    %mul3A_124 = vector.broadcast %convert_element_type3A_4 : vector<10240x1xf32> to vector<10240x128xf32>
    %mul3A_125 = arith.mulf %add3A_123, %mul3A_124 : vector<10240x128xf32>
    %reduce_sum3A_126 = arith.constant dense<0.000000e+00> : vector<128xf32>
    %reduce_sum3A_127 = vector.multi_reduction <add>, %mul3A_125, %reduce_sum3A_126 [0] : vector<10240x128xf32> to vector<128xf32>
    %broadcast_in_dim3A_128 = vector.shape_cast %reduce_sum3A_127 : vector<128xf32> to vector<1x128xf32>
    %mul3A_129 = arith.constant 9.99999974E-5 : f32
    %mul3A_130 = vector.broadcast %mul3A_129 : f32 to vector<1x128xf32>
    %mul3A_131 = arith.mulf %broadcast_in_dim3A_128, %mul3A_130 : vector<1x128xf32>
    %mul3A_132 = arith.mulf %mul3A_125, %add3A_123 : vector<10240x128xf32>
    %reduce_sum3A_133 = arith.constant dense<0.000000e+00> : vector<128xf32>
    %reduce_sum3A_134 = vector.multi_reduction <add>, %mul3A_132, %reduce_sum3A_133 [0] : vector<10240x128xf32> to vector<128xf32>
    %broadcast_in_dim3A_135 = vector.shape_cast %reduce_sum3A_134 : vector<128xf32> to vector<1x128xf32>
    %mul3A_136 = arith.constant 9.99999974E-5 : f32
    %mul3A_137 = vector.broadcast %mul3A_136 : f32 to vector<1x128xf32>
    %mul3A_138 = arith.mulf %broadcast_in_dim3A_135, %mul3A_137 : vector<1x128xf32>
    %mul3A_139 = arith.mulf %mul3A_131, %mul3A_131 : vector<1x128xf32>
    %sub3A_140 = arith.subf %mul3A_138, %mul3A_139 : vector<1x128xf32>
    %add3A_141 = arith.constant 9.99999974E-6 : f32
    %add3A_142 = vector.broadcast %add3A_141 : f32 to vector<1x128xf32>
    %add3A_143 = arith.addf %sub3A_140, %add3A_142 : vector<1x128xf32>
    %rsqrt3A_144 = math.rsqrt %add3A_143 : vector<1x128xf32>
    %sub3A_145 = vector.broadcast %mul3A_131 : vector<1x128xf32> to vector<10240x128xf32>
    %sub3A_146 = arith.subf %add3A_123, %sub3A_145 : vector<10240x128xf32>
    %mul3A_147 = vector.broadcast %rsqrt3A_144 : vector<1x128xf32> to vector<10240x128xf32>
    %mul3A_148 = arith.mulf %sub3A_146, %mul3A_147 : vector<10240x128xf32>
    %get3A_149 = arith.constant 0 : index
    %get3A_150 = arith.constant 0 : index
    %get3A_151 = vector.load %arg14[%get3A_149, %get3A_150] : memref<1x128xf32, #tpu.memory_space<vmem>>, vector<1x128xf32>
    %mul3A_152 = vector.broadcast %get3A_151 : vector<1x128xf32> to vector<10240x128xf32>
    %mul3A_153 = arith.mulf %mul3A_148, %mul3A_152 : vector<10240x128xf32>
    %get3A_154 = arith.constant 0 : index
    %get3A_155 = arith.constant 0 : index
    %get3A_156 = vector.load %arg15[%get3A_154, %get3A_155] : memref<1x128xf32, #tpu.memory_space<vmem>>, vector<1x128xf32>
    %add3A_157 = vector.broadcast %get3A_156 : vector<1x128xf32> to vector<10240x128xf32>
    %add3A_158 = arith.addf %mul3A_153, %add3A_157 : vector<10240x128xf32>
    %max3A_159 = arith.constant 0.000000e+00 : f32
    %max3A_160 = vector.broadcast %max3A_159 : f32 to vector<10240x128xf32>
    %max3A_161 = arith.maximumf %add3A_158, %max3A_160 : vector<10240x128xf32>
    %get3A_162 = arith.constant 0 : index
    %get3A_163 = arith.constant 0 : index
    %get3A_164 = vector.load %arg16[%get3A_162, %get3A_163] : memref<128x128xf32, #tpu.memory_space<vmem>>, vector<128x128xf32>
    %dot_general3A_165 = arith.constant dense<0.000000e+00> : vector<10240x128xf32>
    %dot_general3A_166 = tpu.matmul %max3A_161, %get3A_164, %dot_general3A_165 {dimension_numbers = #tpu.dot_dimension_numbers<[1], [0], [0], [1], [0, 0, 1, 1], [], []>, transpose_lhs_hint = false} : vector<10240x128xf32>, vector<128x128xf32>, vector<10240x128xf32> -> vector<10240x128xf32>
    %get3A_167 = arith.constant 0 : index
    %get3A_168 = arith.constant 0 : index
    %get3A_169 = vector.load %arg17[%get3A_167, %get3A_168] : memref<1x128xf32, #tpu.memory_space<vmem>>, vector<1x128xf32>
    %add3A_170 = vector.broadcast %get3A_169 : vector<1x128xf32> to vector<10240x128xf32>
    %add3A_171 = arith.addf %dot_general3A_166, %add3A_170 : vector<10240x128xf32>
    %swap3A = arith.constant 0 : index
    %swap3A_172 = arith.constant 0 : index
    %swap3A_173 = vector.load %arg18[%swap3A, %swap3A_172] : memref<10240x128xf32, #tpu.memory_space<vmem>>, vector<10240x128xf32>
    tpu.vector_store %arg18[%swap3A, %swap3A_172], %add3A_171 {strides = array<i32>} : memref<10240x128xf32, #tpu.memory_space<vmem>>, vector<10240x128xf32>,
    return
  }
}

</mosaic_0001>

<sc_bundles>
// kernel: kernel.10.cloned.1.call-start
scs
__scs_entry_jumppad:
0x0: {  	(pc) =	sbr.rel $0x88, $3  }
0x1: {  	(tag) =	ssettag $0x0;
	lr =	simm.s32 $0x1  }
0x2: {  	[smem:$0x3F8A] =	sst lr;
	_ =	strace $0xD0000000  }
0x3: {  	_ = 	snop  }
0x4: {  	_ = 	snop  }
0x5: {  	_ = 	snop  }
0x6: {  	_ = 	snop  }
0x7: {  	_ = 	snop  }
__scs_overlays_trampoline_lowered:
0x8: {  	[smem:$0x3F99] =	sst s0  }
0x9: {  	[smem:$0x3F9A] =	sst s1  }
0xa: {  	[smem:$0x3F9B] =	sst s2  }
0xb: {  	[smem:$0x3F9C] =	sst s3  }
0xc: {  	[smem:$0x3F9D] =	sst s4  }
0xd: {  	[smem:$0x3F9E] =	sst s5  }
0xe: {  	[smem:$0x3F9F] =	sst s6  }
0xf: {  	[smem:$0x3FA0] =	sst s7  }
0x10: {  	[smem:$0x3FA1] =	sst s8  }
0x11: {  	[smem:$0x3FA2] =	sst s9;
	s0 =	simm.s32 @!p0 $0x0  }
0x12: {  	s1 =	sld [smem:$0x3F88];
	s0 =	simm.s32 @p0 $0x1  }
0x13: {  	[smem:$0x3FA3] =	sst s0;
	s0 =	simm.s32 @!p1 $0x0  }
0x14: {  	s2 =	sld [smem:$0x3F87];
	s0 =	simm.s32 @p1 $0x1  }
0x15: {  	[smem:$0x3FA4] =	sst s0;
	s0 =	simm.s32 @!p2 $0x0  }
0x16: {  	s3 =	sld [smem:$0x3FDB];
	s0 =	simm.s32 @p2 $0x1  }
0x17: {  	s4 =	simm.s32 $0x1BF5;
	[smem:$0x3FA6] =	sst s0  }
0x18: {  	s0 =	sld [smem:$0x3F89];
	_ =	swait.ge [sflag:s4], $0x0  }
0x19: {  	s7 =	sld [smem:$0x3F8A]  }
0x1a: {  	s8 =	sadd.s32 $0xFFFFE003, lr  }
0x1b: {  	s9 =	sadd.s32 $0xFFFFFEF7, lr;
	s5 =	simm.s32 $0xFFFFFFFF;
	p2 =	slt.u32 s8, $0xFFFFF086  }
0x1c: {  	p1 =	slt.u32 s9, $0xF7A;
	s5 =	simm.s32 @!p2 $0x0  }
0x1d: {  	s5 =	simm.s32 @p1 $0x1;
	p0 =	seq.s32 s7, s2  }
0x1e: {  	s7 =	smul.u32 @!p0 $0xF7A, s2;
	p2 =	seq.s32 @!p0 s5, $0x0  }
0x1f: {  	s9 =	smul.u32 $0xF7A, s1;
	s8 =	simm.s32 @!p0 $0x1BF5;
	p2 =	por !p2, p0  }
0x20: {  	[sflag:s8] =	ssyncset.s32 @!p0 $0xFFFFF086;
	s6 =	sadd.s32 @!p0 s3, s7;
	s7 =	simm.s32 @!p0 $0x108  }
0x21: {  	s3 =	sadd.s32 s3, s9;
	s6 =	sadd.s32 @!p0 $0x88, s6;
	s7 =	simm.s32 @p2 $0x1082  }
0x22: {  	[simem:s7], [sflag:s8] =	dma.local @!p0 [hbm:s6], $0xF7A  }
0x23: {  	s9 =	sor.u32 $0xD0000000, s2;
	s6 =	simm.s32 $0x108;
	_ =	swait.ge @!p0 [sflag:s8], $0x0  }
0x24: {  	s3 =	sadd.s32 $0x88, s3;
	s6 =	simm.s32 @!p1 $0x1082;
	[sflag:s4] =	ssyncset.s32 $0xFFFFF086  }
0x25: {  	[simem:s6], [sflag:s4] =	dma.local [hbm:s3], $0xF7A  }
0x26: {  	[smem:$0x3F8A] =	sst s1;
	(tag) =	ssettag s2;
	_ =	strace s9  }
0x27: {  	s1 =	sld [smem:$0x3F9A]  }
0x28: {  	s2 =	sld [smem:$0x3F9B]  }
0x29: {  	s4 =	sld [smem:$0x3F9D]  }
0x2a: {  	p0 =	seq.s32 s5, $0x0;
	s5 =	sld [smem:$0x3F9E]  }
0x2b: {  	s6 =	sld [smem:$0x3F9F]  }
0x2c: {  	s7 =	sld [smem:$0x3FA0]  }
0x2d: {  	s3 =	simm.s32 $0x108;
	s8 =	sld [smem:$0x3FA1]  }
0x2e: {  	s3 =	simm.s32 @!p0 $0x1082;
	s9 =	sld [smem:$0x3FA2]  }
0x2f: {  	lr =	sadd.s32 s0, s3;
	s0 =	sld [smem:$0x3F99]  }
0x30: {  	s3 =	sld [smem:$0x3F9C]  }
0x31: {  	[smem:$0x3FA5] =	sst s10  }
0x32: {  	s10 =	sld [smem:$0x3FA3];
	_ =	sdelay $0x3  }
0x33: {  	p0 =	seq.s32 s10, $0x1;
	s10 =	sld [smem:$0x3FA5];
	_ =	sdelay $0x3  }
0x34: {  	[smem:$0x3FA5] =	sst s10  }
0x35: {  	s10 =	sld [smem:$0x3FA4];
	_ =	sdelay $0x3  }
0x36: {  	p1 =	seq.s32 s10, $0x1;
	s10 =	sld [smem:$0x3FA5];
	_ =	sdelay $0x3  }
0x37: {  	[smem:$0x3FA5] =	sst s10  }
0x38: {  	s10 =	sld [smem:$0x3FA6]  }
0x39: {  	_ = 	snop;
	(pc) =	sbr.ind lr, $3  }
0x3a: {  	_ = 	snop  }
0x3b: {  	_ = 	snop  }
0x3c: {  	p2 =	seq.s32 s10, $0x1;
	s10 =	sld [smem:$0x3FA5]  }
0x3d: {  	_ =	shalt  }
0x3e: {  	_ =	shalt  }
0x3f: {  	_ =	shalt  }
0x40: {  	_ =	shalt  }
0x41: {  	_ =	shalt  }
0x42: {  	_ =	shalt  }
0x43: {  	_ =	shalt  }
0x44: {  	_ =	shalt  }
0x45: {  	_ =	shalt  }
0x46: {  	_ =	shalt  }
0x47: {  	_ =	shalt  }
0x48: {  	_ =	shalt  }
0x49: {  	_ =	shalt  }
0x4a: {  	_ =	shalt  }
0x4b: {  	_ =	shalt  }
0x4c: {  	_ =	shalt  }
0x4d: {  	_ =	shalt  }
0x4e: {  	_ =	shalt  }
0x4f: {  	_ =	shalt  }
0x50: {  	_ =	shalt  }
0x51: {  	_ =	shalt  }
0x52: {  	_ =	shalt  }
0x53: {  	_ =	shalt  }
0x54: {  	_ =	shalt  }
0x55: {  	_ =	shalt  }
0x56: {  	_ =	shalt  }
0x57: {  	_ =	shalt  }
0x58: {  	_ =	shalt  }
0x59: {  	_ =	shalt  }
0x5a: {  	_ =	shalt  }
0x5b: {  	_ =	shalt  }
0x5c: {  	_ =	shalt  }
0x5d: {  	_ =	shalt  }
0x5e: {  	_ =	shalt  }
0x5f: {  	_ =	shalt  }
0x60: {  	_ =	shalt  }
0x61: {  	_ =	shalt  }
0x62: {  	_ =	shalt  }
0x63: {  	_ =	shalt  }
0x64: {  	_ =	shalt  }
0x65: {  	_ =	shalt  }
0x66: {  	_ =	shalt  }
0x67: {  	_ =	shalt  }
0x68: {  	_ =	shalt  }
0x69: {  	_ =	shalt  }
0x6a: {  	_ =	shalt  }
0x6b: {  	_ =	shalt  }
0x6c: {  	_ =	shalt  }
0x6d: {  	_ =	shalt  }
0x6e: {  	_ =	shalt  }
0x6f: {  	_ =	shalt  }
0x70: {  	_ =	shalt  }
0x71: {  	_ =	shalt  }
0x72: {  	_ =	shalt  }
0x73: {  	_ =	shalt  }
0x74: {  	_ =	shalt  }
0x75: {  	_ =	shalt  }
0x76: {  	_ =	shalt  }
0x77: {  	_ =	shalt  }
0x78: {  	_ =	shalt  }
0x79: {  	_ =	shalt  }
0x7a: {  	_ =	shalt  }
0x7b: {  	_ =	shalt  }
0x7c: {  	_ =	shalt  }
0x7d: {  	_ =	shalt  }
0x7e: {  	_ =	shalt  }
0x7f: {  	_ =	shalt  }
0x80: {  	_ =	shalt  }
0x81: {  	_ =	shalt  }
0x82: {  	_ =	shalt  }
0x83: {  	_ =	shalt  }
0x84: {  	_ =	shalt  }
0x85: {  	_ =	shalt  }
0x86: {  	_ =	shalt  }
0x87: {  	_ =	shalt  }
.Lfunc_end0:
.L_simem_size_0:
called_computation.1_lowered:
.L_overlay_start_0:
0x88: {  	s2 =	sld [smem:$0x3FD9]  }
0x89: {  	s3 =	sld [smem:$0x3FFE];
	_ =	sdelay $0x1  }
0x8a: {  	s1 =	srdreg.scid  }
0x8b: {  	s0 =	sand.u32 $0x1, s1  }
0x8c: {  	s17 =	sshll.u32 s0, $0xA;
	s2 =	sadd.s32 s3, s2  }
0x8d: {  	s2 =	sadd.s32 s2, s17  }
0x8e: {  	[smem:$0x3FB1] =	sst s2  }
0x8f: {  	_ = 	snop  }
0x90: {  	s2 =	sld [smem:$0x3FD0];
	(tm) =	ssettm $0x1  }
0x91: {  	s18 =	sld [smem:$0x3FFB];
	_ =	sdelay $0x3  }
0x92: {  	_ =	strace s18  }
0x93: {  	s3 =	sld [smem:$0x3FFC];
	_ =	sdelay $0x3  }
0x94: {  	_ =	strace s3  }
0x95: {  	s3 =	sld [smem:$0x3FFD];
	_ =	sdelay $0x3  }
0x96: {  	_ =	strace s3  }
0x97: {  	_ =	strace $0x8FFFFFFF  }
0x98: {  	s19 =	sld [smem:$0x3FDB];
	_ =	sdelay $0x1  }
0x99: {  	s4 =	simm.s32 $_scs_section_size  }
0x9a: {  	s5 =	simm.s32 $_size__tile_overlayer_lowered;
	s6 =	simm.s32 $_tile_overlayer_lowered  }
0x9b: {  	s22 =	simm.s32 $0x1BFF;
	s21 =	sshll.u32 s6, $0x1;
	s3 =	sadd.s32 s4, s19  }
0x9c: {  	s7 =	simm.s32 $0x0;
	s20 =	sshll.u32 s5, $0x1;
	s5 =	sadd.s32 s21, s3  }
0x9d: {  	[timem:s7], [sflag:s22] =	dma.local [hbm:s5], s20  }
0x9e: {  	_ =	swait.ge [sflag:s22], s20  }
0x9f: {  	s4 =	ssub.s32 $0x0, s20;
	[sflag:s22] =	ssyncset.done $0x0  }
0xa0: {  	[sflag:s22] =	ssyncadd.s32 s4;
	_ =	sdelay $0x1  }
0xa1: {  	s23 =	simm.s32 $0x1B8B  }
0xa2: {  	_ =	swait.ge [sflag:s23], $0x1  }
0xa3: {  	[sflag:s23] =	ssyncset.done $0x0  }
0xa4: {  	s25 =	simm.s32 $0x1B8E;
	s24 =	sld [smem:$0x3FFE];
	[sflag:s23] =	ssyncadd.s32 $0xFFFFFFFF  }
0xa5: {  	s26 =	simm.s32 $execute0_lowered;
	[smem:$0x3FD2] =	sst s25  }
0xa6: {  	s5 =	sshll.u32 s26, $0x1;
	_ =	strace $0x80000049;
	[dreg:$0x1] =	wrdreg $0xFFFFFFFF  }
0xa7: {  	s28 =	simm.s32 $_size_execute0_lowered;
	s3 =	sadd.s32 s3, s5;
	[dreg:$0x0] =	wrdreg $0x0  }
0xa8: {  	s5 =	sshll.u32 s28, $0x1;
	[dreg:$0x2] =	wrdreg s3  }
0xa9: {  	[dreg:$0x3] =	wrdreg s5  }
0xaa: {  	[dreg:$0x4] =	wrdreg $0xC0  }
0xab: {  	_ =	task [dreg:s7], $0x5FFFF  }
0xac: {  	[dreg:$0x1] =	wrdreg $0xFFFFFFFF  }
0xad: {  	[dreg:$0x0] =	wrdreg $0x60  }
0xae: {  	[dreg:$0x2] =	wrdreg s24  }
0xaf: {  	[dreg:$0x3] =	wrdreg s2  }
0xb0: {  	[dreg:$0x4] =	wrdreg $0x9  }
0xb1: {  	_ =	task.clear_ibuf [dreg:s7], $0x5FFFF;
	_ =	strace $0x90000049  }
0xb2: {  	s29 =	simm.s32 $0x9;
	_ =	strace $0x8000004B  }
0xb3: {  	_ =	swait.ge [sflag:s29], $0x1  }
0xb4: {  	[sflag:s29] =	ssyncadd.s32 $0xFFFFFFFF  }
0xb5: {  	_ =	strace $0x9000004B  }
0xb6: {  	_ =	sfence  }
0xb7: {  	s30 =	sld [smem:$0x0];
	_ =	sdelay $0x2  }
0xb8: {  	s31 =	sshll.u32 s1, $0xD;
	s1 =	sshrl.u32 s1, $0x2  }
0xb9: {  	s3 =	sand.u32 $0x4000, s31;
	s1 =	sadd.s32 s1, s30  }
0xba: {  	s0 =	sor.u32 s3, s0;
	s1 =	sshll.u32 s1, $0x11  }
0xbb: {  	s0 =	sor.u32 s1, s0  }
0xbc: {  	s0 =	sadd.s32 $0x8F2B, s0  }
0xbd: {  	[sflag:s0] =	ssyncadd.remote.s32 $0x1  }
0xbe: {  	_ =	sfence.sel $0xFFFF  }
0xbf: {  	[dreg:$0x0] =	wrdreg $0xFFFFFFFF;
	(pc) =	sbr.abs _section_cstart, $3  }
0xc0: {  	[dreg:$0x1] =	wrdreg $0xFFFFFFFF  }
0xc1: {  	_ =	task.clear_ibuf [dreg:s7], $0x2FFFF;
	_ =	strace $0x9FFFFFFF  }
0xc2: {  	(tm) =	ssettm $0x7FFFFFFF  }
0xc3: {  	_ =	shalt  }
tec
execute0_lowered:
.L_overlay_start_1:
0x0: {  	(tag) =	ssettag $0x1  }
0x1: {  	s1 =	srdreg.scid  }
0x2: {  	s0 =	stileid.u32;
	s3 =	rddreg [dreg:$0x0]  }
0x3: {  	s4 =	rddreg [dreg:$0x1];
	s8 =	simm.s32 $0x50;
	s28 =	simm.s32 $0x280  }
0x4: {  	s29 =	simm.s32 $0x3C0;
	s30 =	simm.s32 $0x500;
	s21 =	simm.s32 $0x2E80  }
0x5: {  	s22 =	simm.s32 $0x190;
	s23 =	simm.s32 $0x2D0;
	s24 =	simm.s32 $0x410  }
0x6: {  	s25 =	simm.s32 $0x550;
	s20 =	simm.s32 $0xA0;
	s15 =	simm.s32 $0x5680  }
0x7: {  	s16 =	simm.s32 $0x1E0;
	s17 =	simm.s32 $0x320;
	s18 =	simm.s32 $0x460  }
0x8: {  	s19 =	simm.s32 $0x5A0;
	s1 =	sand.u32 $0x1, s1;
	s2 =	sshll.u32 s0, $0x1  }
0x9: {  	s10 =	simm.s32 $0xF0;
	s5 =	sor.u32 s1, s2;
	s1 =	ssub.s32 $0x2, s1  }
0xa: {  	p0 =	por $0x0, $0x0;
	s9 =	simm.s32 $0x7E80;
	s26 =	sshrl.u32 s1, $0x1  }
0xb: {  	s11 =	simm.s32 $0x230;
	s12 =	simm.s32 $0x370;
	s1 =	ssub.s32 s1, s26  }
0xc: {  	s13 =	simm.s32 $0x4B0;
	s7 =	smul.u32 $0x1400, s5;
	s1 =	smax.u32 s1, $0x1  }
0xd: {  	s2 =	simm.s32 $0x0;
	s5 =	smul.u32 $0xC8, s5;
	p1 =	sne.s32 s1, $0x1  }
.Ltmp0:
0xe: {  	s14 =	simm.s32 $0x5F0;
	[smem:$0x7FF] =	sst s2;
	(pc) =	sbr.rel @!p1 .LBB2_3-.Ltmp0, $4  }
0xf: {  	s6 =	sadd.s32 $0x4E00, s3;
	_ =	strace $0x8000004A;
	s26 =	simm.s32 $0x140  }
0x10: {  	s3 =	sadd.s32 s7, s3;
	s4 =	sadd.s32 s4, s5;
	s5 =	simm.s32 $0x680  }
0x11: {  	s7 =	simm.s32 $0x1;
	[dreg:$0x3] =	wrdreg s4;
	s4 =	sadd.s32 $0x2CE00, s3  }
0x12: {  	s3 =	simm.s32 $0x2;
	s31 =	sadd.s32 $0xFFFFFFFF, s1;
	s1 =	rddreg [dreg:$0x3]  }
0x13: {  	[tilespmem:s2], [sflag:$0x2] =	stream.linear.gather [hbm4b:s1+s2], $0x640, $0x38;
	[tilespmem:$0xA680] =	vst v63  }
0x14: {  	_ =	swait.ge [sflag:s3], $0x640  }
0x15: {  	[sflag:s3] =	ssyncset.done $0x0  }
0x16: {  	[sflag:s3] =	ssyncadd.s32 $0xFFFFF9C0  }
0x17: {  	[tilespmem:s5], [sflag:$0x1] =	stream.indirect.gather [hbm4b:s6+s8], $0x80, s2, s8, $0xb8;
	[tilespmem:$0xA680] =	vst v63  }
0x18: {  	_ =	swait.ge [sflag:s7], $0x2800  }
0x19: {  	[sflag:s7] =	ssyncset.done $0x0  }
0x1a: {  	[sflag:s7] =	ssyncadd.s32 $0xFFFFD800  }
0x1b: {  	[tilespmem:s5], [sflag:$0x1] =	stream.indirect.gather.add.f32 [hbm:s6], $0x80, s26, s8, $0xb8;
	[tilespmem:$0xA680] =	vst v63  }
0x1c: {  	_ = 	snop  }
0x1d: {  	[tilespmem:s5], [sflag:$0x1] =	stream.indirect.gather.add.f32 [hbm:s6], $0x80, s28, s8, $0xb8;
	[tilespmem:$0xA680] =	vst v63  }
0x1e: {  	_ = 	snop  }
0x1f: {  	[tilespmem:s5], [sflag:$0x1] =	stream.indirect.gather.add.f32 [hbm:s6], $0x80, s29, s8, $0xb8;
	[tilespmem:$0xA680] =	vst v63  }
0x20: {  	_ = 	snop  }
0x21: {  	[tilespmem:s5], [sflag:$0x1] =	stream.indirect.gather.add.f32 [hbm:s6], $0x80, s30, s8, $0xb8;
	[tilespmem:$0xA680] =	vst v63  }
0x22: {  	_ =	swait.ge [sflag:s7], $0x2800  }
0x23: {  	[sflag:s7] =	ssyncset.done $0x0  }
0x24: {  	[sflag:s7] =	ssyncadd.s32 $0xFFFFD800  }
0x25: {  	_ =	swait.ge [sflag:s7], $0x2800  }
0x26: {  	[sflag:s7] =	ssyncset.done $0x0  }
0x27: {  	[sflag:s7] =	ssyncadd.s32 $0xFFFFD800  }
0x28: {  	_ =	swait.ge [sflag:s7], $0x2800  }
0x29: {  	[sflag:s7] =	ssyncset.done $0x0  }
0x2a: {  	[sflag:s7] =	ssyncadd.s32 $0xFFFFD800  }
0x2b: {  	_ =	swait.ge [sflag:s7], $0x2800  }
0x2c: {  	[sflag:s7] =	ssyncset.done $0x0  }
0x2d: {  	[sflag:s7] =	ssyncadd.s32 $0xFFFFD800  }
0x2e: {  	[tilespmem:s21], [sflag:$0x1] =	stream.indirect.gather [hbm4b:s6+s8], $0x80, s8, s8, $0xb8;
	[tilespmem:$0xA680] =	vst v63  }
0x2f: {  	_ =	swait.ge [sflag:s7], $0x2800  }
0x30: {  	[sflag:s7] =	ssyncset.done $0x0  }
0x31: {  	[sflag:s7] =	ssyncadd.s32 $0xFFFFD800  }
0x32: {  	[tilespmem:s21], [sflag:$0x1] =	stream.indirect.gather.add.f32 [hbm:s6], $0x80, s22, s8, $0xb8;
	[tilespmem:$0xA680] =	vst v63  }
0x33: {  	_ = 	snop  }
0x34: {  	[tilespmem:s21], [sflag:$0x1] =	stream.indirect.gather.add.f32 [hbm:s6], $0x80, s23, s8, $0xb8;
	[tilespmem:$0xA680] =	vst v63  }
0x35: {  	_ = 	snop  }
0x36: {  	[tilespmem:s21], [sflag:$0x1] =	stream.indirect.gather.add.f32 [hbm:s6], $0x80, s24, s8, $0xb8;
	[tilespmem:$0xA680] =	vst v63  }
0x37: {  	_ = 	snop  }
0x38: {  	[tilespmem:s21], [sflag:$0x1] =	stream.indirect.gather.add.f32 [hbm:s6], $0x80, s25, s8, $0xb8;
	[tilespmem:$0xA680] =	vst v63  }
0x39: {  	_ =	swait.ge [sflag:s7], $0x2800  }
0x3a: {  	[sflag:s7] =	ssyncset.done $0x0  }
0x3b: {  	[sflag:s7] =	ssyncadd.s32 $0xFFFFD800  }
0x3c: {  	_ =	swait.ge [sflag:s7], $0x2800  }
0x3d: {  	[sflag:s7] =	ssyncset.done $0x0  }
0x3e: {  	[sflag:s7] =	ssyncadd.s32 $0xFFFFD800  }
0x3f: {  	_ =	swait.ge [sflag:s7], $0x2800  }
0x40: {  	[sflag:s7] =	ssyncset.done $0x0  }
0x41: {  	[sflag:s7] =	ssyncadd.s32 $0xFFFFD800  }
0x42: {  	_ =	swait.ge [sflag:s7], $0x2800  }
0x43: {  	[sflag:s7] =	ssyncset.done $0x0  }
0x44: {  	[sflag:s7] =	ssyncadd.s32 $0xFFFFD800  }
0x45: {  	[tilespmem:s15], [sflag:$0x1] =	stream.indirect.gather [hbm4b:s6+s8], $0x80, s20, s8, $0xb8;
	[tilespmem:$0xA680] =	vst v63  }
0x46: {  	_ =	swait.ge [sflag:s7], $0x2800  }
0x47: {  	[sflag:s7] =	ssyncset.done $0x0  }
0x48: {  	[sflag:s7] =	ssyncadd.s32 $0xFFFFD800  }
0x49: {  	[tilespmem:s15], [sflag:$0x1] =	stream.indirect.gather.add.f32 [hbm:s6], $0x80, s16, s8, $0xb8;
	[tilespmem:$0xA680] =	vst v63  }
0x4a: {  	_ = 	snop  }
0x4b: {  	[tilespmem:s15], [sflag:$0x1] =	stream.indirect.gather.add.f32 [hbm:s6], $0x80, s17, s8, $0xb8;
	[tilespmem:$0xA680] =	vst v63  }
0x4c: {  	_ = 	snop  }
0x4d: {  	[tilespmem:s15], [sflag:$0x1] =	stream.indirect.gather.add.f32 [hbm:s6], $0x80, s18, s8, $0xb8;
	[tilespmem:$0xA680] =	vst v63  }
0x4e: {  	_ = 	snop  }
0x4f: {  	[tilespmem:s15], [sflag:$0x1] =	stream.indirect.gather.add.f32 [hbm:s6], $0x80, s19, s8, $0xb8;
	[tilespmem:$0xA680] =	vst v63  }
0x50: {  	_ =	swait.ge [sflag:s7], $0x2800  }
0x51: {  	[sflag:s7] =	ssyncset.done $0x0  }
0x52: {  	[sflag:s7] =	ssyncadd.s32 $0xFFFFD800  }
0x53: {  	_ =	swait.ge [sflag:s7], $0x2800  }
0x54: {  	[sflag:s7] =	ssyncset.done $0x0  }
0x55: {  	[sflag:s7] =	ssyncadd.s32 $0xFFFFD800  }
0x56: {  	_ =	swait.ge [sflag:s7], $0x2800  }
0x57: {  	[sflag:s7] =	ssyncset.done $0x0  }
0x58: {  	[sflag:s7] =	ssyncadd.s32 $0xFFFFD800  }
0x59: {  	_ =	swait.ge [sflag:s7], $0x2800  }
0x5a: {  	[sflag:s7] =	ssyncset.done $0x0  }
0x5b: {  	[sflag:s7] =	ssyncadd.s32 $0xFFFFD800  }
0x5c: {  	[tilespmem:s9], [sflag:$0x1] =	stream.indirect.gather [hbm4b:s6+s8], $0x80, s10, s8, $0xb8;
	[tilespmem:$0xA680] =	vst v63  }
0x5d: {  	_ =	swait.ge [sflag:s7], $0x2800  }
0x5e: {  	[sflag:s7] =	ssyncset.done $0x0  }
0x5f: {  	[sflag:s7] =	ssyncadd.s32 $0xFFFFD800  }
0x60: {  	[tilespmem:s9], [sflag:$0x1] =	stream.indirect.gather.add.f32 [hbm:s6], $0x80, s11, s8, $0xb8;
	[tilespmem:$0xA680] =	vst v63  }
0x61: {  	_ = 	snop  }
0x62: {  	[tilespmem:s9], [sflag:$0x1] =	stream.indirect.gather.add.f32 [hbm:s6], $0x80, s12, s8, $0xb8;
	[tilespmem:$0xA680] =	vst v63  }
0x63: {  	_ = 	snop  }
0x64: {  	[tilespmem:s9], [sflag:$0x1] =	stream.indirect.gather.add.f32 [hbm:s6], $0x80, s13, s8, $0xb8;
	[tilespmem:$0xA680] =	vst v63  }
0x65: {  	_ = 	snop  }
0x66: {  	[tilespmem:s9], [sflag:$0x1] =	stream.indirect.gather.add.f32 [hbm:s6], $0x80, s14, s8, $0xb8;
	[tilespmem:$0xA680] =	vst v63  }
0x67: {  	_ =	swait.ge [sflag:s7], $0x2800  }
0x68: {  	[sflag:s7] =	ssyncset.done $0x0  }
0x69: {  	[sflag:s7] =	ssyncadd.s32 $0xFFFFD800  }
0x6a: {  	_ =	swait.ge [sflag:s7], $0x2800  }
0x6b: {  	[sflag:s7] =	ssyncset.done $0x0  }
0x6c: {  	[sflag:s7] =	ssyncadd.s32 $0xFFFFD800  }
0x6d: {  	_ =	swait.ge [sflag:s7], $0x2800  }
0x6e: {  	[sflag:s7] =	ssyncset.done $0x0  }
0x6f: {  	[sflag:s7] =	ssyncadd.s32 $0xFFFFD800  }
0x70: {  	p1 =	sne.s32 s31, $0x1;
	_ =	swait.ge [sflag:s7], $0x2800  }
.Ltmp1:
0x71: {  	[sflag:s7] =	ssyncset.done $0x0;
	(pc) =	sbr.rel @!p1 .LBB2_3-.Ltmp1, $4  }
0x72: {  	[sflag:s7] =	ssyncadd.s32 $0xFFFFD800  }
0x73: {  	[hbm4b:s4+s2] =	stream.linear.scatter [tilespmem:s5], [sflag:$0x2], $0xA000, $0x38;
	[tilespmem:$0xA680] =	vst v63  }
0x74: {  	s31 =	sadd.s32 $0xFFFFFFFF, s31;
	_ =	swait.ge [sflag:s3], $0xA000  }
0x75: {  	p0 =	por $0x1, $0x1;
	s1 =	rddreg [dreg:$0x3];
	[sflag:s3] =	ssyncset.done $0x0  }
.LBB2_2:
0x76: {  	[sflag:s3] =	ssyncadd.s32 $0xFFFF6000  }
0x77: {  	[tilespmem:s2], [sflag:$0x2] =	stream.linear.gather [hbm4b:s1+s2], $0x640, $0x38;
	[tilespmem:$0xA680] =	vst v63  }
0x78: {  	_ =	swait.ge [sflag:s3], $0x640  }
0x79: {  	[sflag:s3] =	ssyncset.done $0x0  }
0x7a: {  	[sflag:s3] =	ssyncadd.s32 $0xFFFFF9C0  }
0x7b: {  	[tilespmem:s5], [sflag:$0x1] =	stream.indirect.gather [hbm4b:s6+s8], $0x80, s2, s8, $0xb8;
	[tilespmem:$0xA680] =	vst v63  }
0x7c: {  	_ =	swait.ge [sflag:s7], $0x2800  }
0x7d: {  	[sflag:s7] =	ssyncset.done $0x0  }
0x7e: {  	[sflag:s7] =	ssyncadd.s32 $0xFFFFD800  }
0x7f: {  	[tilespmem:s5], [sflag:$0x1] =	stream.indirect.gather.add.f32 [hbm:s6], $0x80, s26, s8, $0xb8;
	[tilespmem:$0xA680] =	vst v63  }
0x80: {  	_ = 	snop  }
0x81: {  	[tilespmem:s5], [sflag:$0x1] =	stream.indirect.gather.add.f32 [hbm:s6], $0x80, s28, s8, $0xb8;
	[tilespmem:$0xA680] =	vst v63  }
0x82: {  	_ = 	snop  }
0x83: {  	[tilespmem:s5], [sflag:$0x1] =	stream.indirect.gather.add.f32 [hbm:s6], $0x80, s29, s8, $0xb8;
	[tilespmem:$0xA680] =	vst v63  }
0x84: {  	_ = 	snop  }
0x85: {  	[tilespmem:s5], [sflag:$0x1] =	stream.indirect.gather.add.f32 [hbm:s6], $0x80, s30, s8, $0xb8;
	[tilespmem:$0xA680] =	vst v63  }
0x86: {  	_ =	swait.ge [sflag:s7], $0x2800  }
0x87: {  	[sflag:s7] =	ssyncset.done $0x0  }
0x88: {  	[sflag:s7] =	ssyncadd.s32 $0xFFFFD800  }
0x89: {  	_ =	swait.ge [sflag:s7], $0x2800  }
0x8a: {  	[sflag:s7] =	ssyncset.done $0x0  }
0x8b: {  	[sflag:s7] =	ssyncadd.s32 $0xFFFFD800  }
0x8c: {  	_ =	swait.ge [sflag:s7], $0x2800  }
0x8d: {  	[sflag:s7] =	ssyncset.done $0x0  }
0x8e: {  	[sflag:s7] =	ssyncadd.s32 $0xFFFFD800  }
0x8f: {  	_ =	swait.ge [sflag:s7], $0x2800  }
0x90: {  	[sflag:s7] =	ssyncset.done $0x0  }
0x91: {  	[sflag:s7] =	ssyncadd.s32 $0xFFFFD800  }
0x92: {  	[tilespmem:s21], [sflag:$0x1] =	stream.indirect.gather [hbm4b:s6+s8], $0x80, s8, s8, $0xb8;
	[tilespmem:$0xA680] =	vst v63  }
0x93: {  	_ =	swait.ge [sflag:s7], $0x2800  }
0x94: {  	[sflag:s7] =	ssyncset.done $0x0  }
0x95: {  	[sflag:s7] =	ssyncadd.s32 $0xFFFFD800  }
0x96: {  	[tilespmem:s21], [sflag:$0x1] =	stream.indirect.gather.add.f32 [hbm:s6], $0x80, s22, s8, $0xb8;
	[tilespmem:$0xA680] =	vst v63  }
0x97: {  	_ = 	snop  }
0x98: {  	[tilespmem:s21], [sflag:$0x1] =	stream.indirect.gather.add.f32 [hbm:s6], $0x80, s23, s8, $0xb8;
	[tilespmem:$0xA680] =	vst v63  }
0x99: {  	_ = 	snop  }
0x9a: {  	[tilespmem:s21], [sflag:$0x1] =	stream.indirect.gather.add.f32 [hbm:s6], $0x80, s24, s8, $0xb8;
	[tilespmem:$0xA680] =	vst v63  }
0x9b: {  	_ = 	snop  }
0x9c: {  	[tilespmem:s21], [sflag:$0x1] =	stream.indirect.gather.add.f32 [hbm:s6], $0x80, s25, s8, $0xb8;
	[tilespmem:$0xA680] =	vst v63  }
0x9d: {  	_ =	swait.ge [sflag:s7], $0x2800  }
0x9e: {  	[sflag:s7] =	ssyncset.done $0x0  }
0x9f: {  	[sflag:s7] =	ssyncadd.s32 $0xFFFFD800  }
0xa0: {  	_ =	swait.ge [sflag:s7], $0x2800  }
0xa1: {  	[sflag:s7] =	ssyncset.done $0x0  }
0xa2: {  	[sflag:s7] =	ssyncadd.s32 $0xFFFFD800  }
0xa3: {  	_ =	swait.ge [sflag:s7], $0x2800  }
0xa4: {  	[sflag:s7] =	ssyncset.done $0x0  }
0xa5: {  	[sflag:s7] =	ssyncadd.s32 $0xFFFFD800  }
0xa6: {  	_ =	swait.ge [sflag:s7], $0x2800  }
0xa7: {  	[sflag:s7] =	ssyncset.done $0x0  }
0xa8: {  	[sflag:s7] =	ssyncadd.s32 $0xFFFFD800  }
0xa9: {  	[tilespmem:s15], [sflag:$0x1] =	stream.indirect.gather [hbm4b:s6+s8], $0x80, s20, s8, $0xb8;
	[tilespmem:$0xA680] =	vst v63  }
0xaa: {  	_ =	swait.ge [sflag:s7], $0x2800  }
0xab: {  	[sflag:s7] =	ssyncset.done $0x0  }
0xac: {  	[sflag:s7] =	ssyncadd.s32 $0xFFFFD800  }
0xad: {  	[tilespmem:s15], [sflag:$0x1] =	stream.indirect.gather.add.f32 [hbm:s6], $0x80, s16, s8, $0xb8;
	[tilespmem:$0xA680] =	vst v63  }
0xae: {  	_ = 	snop  }
0xaf: {  	[tilespmem:s15], [sflag:$0x1] =	stream.indirect.gather.add.f32 [hbm:s6], $0x80, s17, s8, $0xb8;
	[tilespmem:$0xA680] =	vst v63  }
0xb0: {  	_ = 	snop  }
0xb1: {  	[tilespmem:s15], [sflag:$0x1] =	stream.indirect.gather.add.f32 [hbm:s6], $0x80, s18, s8, $0xb8;
	[tilespmem:$0xA680] =	vst v63  }
0xb2: {  	_ = 	snop  }
0xb3: {  	[tilespmem:s15], [sflag:$0x1] =	stream.indirect.gather.add.f32 [hbm:s6], $0x80, s19, s8, $0xb8;
	[tilespmem:$0xA680] =	vst v63  }
0xb4: {  	_ =	swait.ge [sflag:s7], $0x2800  }
0xb5: {  	[sflag:s7] =	ssyncset.done $0x0  }
0xb6: {  	[sflag:s7] =	ssyncadd.s32 $0xFFFFD800  }
0xb7: {  	_ =	swait.ge [sflag:s7], $0x2800  }
0xb8: {  	[sflag:s7] =	ssyncset.done $0x0  }
0xb9: {  	[sflag:s7] =	ssyncadd.s32 $0xFFFFD800  }
0xba: {  	_ =	swait.ge [sflag:s7], $0x2800  }
0xbb: {  	[sflag:s7] =	ssyncset.done $0x0  }
0xbc: {  	[sflag:s7] =	ssyncadd.s32 $0xFFFFD800  }
0xbd: {  	_ =	swait.ge [sflag:s7], $0x2800  }
0xbe: {  	[sflag:s7] =	ssyncset.done $0x0  }
0xbf: {  	[sflag:s7] =	ssyncadd.s32 $0xFFFFD800  }
0xc0: {  	[tilespmem:s9], [sflag:$0x1] =	stream.indirect.gather [hbm4b:s6+s8], $0x80, s10, s8, $0xb8;
	[tilespmem:$0xA680] =	vst v63  }
0xc1: {  	_ =	swait.ge [sflag:s7], $0x2800  }
0xc2: {  	[sflag:s7] =	ssyncset.done $0x0  }
0xc3: {  	[sflag:s7] =	ssyncadd.s32 $0xFFFFD800  }
0xc4: {  	[tilespmem:s9], [sflag:$0x1] =	stream.indirect.gather.add.f32 [hbm:s6], $0x80, s11, s8, $0xb8;
	[tilespmem:$0xA680] =	vst v63  }
0xc5: {  	_ = 	snop  }
0xc6: {  	[tilespmem:s9], [sflag:$0x1] =	stream.indirect.gather.add.f32 [hbm:s6], $0x80, s12, s8, $0xb8;
	[tilespmem:$0xA680] =	vst v63  }
0xc7: {  	_ = 	snop  }
0xc8: {  	[tilespmem:s9], [sflag:$0x1] =	stream.indirect.gather.add.f32 [hbm:s6], $0x80, s13, s8, $0xb8;
	[tilespmem:$0xA680] =	vst v63  }
0xc9: {  	_ = 	snop  }
0xca: {  	[tilespmem:s9], [sflag:$0x1] =	stream.indirect.gather.add.f32 [hbm:s6], $0x80, s14, s8, $0xb8;
	[tilespmem:$0xA680] =	vst v63  }
0xcb: {  	_ =	swait.ge [sflag:s7], $0x2800  }
0xcc: {  	[sflag:s7] =	ssyncset.done $0x0  }
0xcd: {  	[sflag:s7] =	ssyncadd.s32 $0xFFFFD800  }
0xce: {  	_ =	swait.ge [sflag:s7], $0x2800  }
0xcf: {  	[sflag:s7] =	ssyncset.done $0x0  }
0xd0: {  	[sflag:s7] =	ssyncadd.s32 $0xFFFFD800  }
0xd1: {  	_ =	swait.ge [sflag:s7], $0x2800  }
0xd2: {  	[sflag:s7] =	ssyncset.done $0x0  }
0xd3: {  	[sflag:s7] =	ssyncadd.s32 $0xFFFFD800  }
0xd4: {  	p1 =	sne.s32 s31, $0x1;
	_ =	swait.ge [sflag:s7], $0x2800  }
.Ltmp2:
0xd5: {  	[sflag:s7] =	ssyncset.done $0x0;
	(pc) =	sbr.rel @p1 .LBB2_2-.Ltmp2, $4  }
0xd6: {  	[sflag:s7] =	ssyncadd.s32 $0xFFFFD800  }
0xd7: {  	[hbm4b:s4+s2] =	stream.linear.scatter [tilespmem:s5], [sflag:$0x2], $0xA000, $0x38;
	[tilespmem:$0xA680] =	vst v63  }
0xd8: {  	_ =	swait.ge [sflag:s3], $0xA000  }
0xd9: {  	s31 =	sadd.s32 $0xFFFFFFFF, s31;
	s1 =	rddreg [dreg:$0x3];
	[sflag:s3] =	ssyncset.done $0x0  }
.LBB2_3:
0xda: {  	[sflag:s3] =	ssyncadd.s32 @p0 $0xFFFF6000  }
0xdb: {  	[tilespmem:s2], [sflag:$0x2] =	stream.linear.gather [hbm4b:s1+s2], $0x640, $0x38;
	[tilespmem:$0xA680] =	vst v63  }
0xdc: {  	_ =	swait.ge [sflag:s3], $0x640  }
0xdd: {  	[sflag:s3] =	ssyncset.done $0x0  }
0xde: {  	[sflag:s3] =	ssyncadd.s32 $0xFFFFF9C0  }
0xdf: {  	[tilespmem:s5], [sflag:$0x1] =	stream.indirect.gather [hbm4b:s6+s8], $0x80, s2, s8, $0xb8;
	[tilespmem:$0xA680] =	vst v63  }
0xe0: {  	_ =	swait.ge [sflag:s7], $0x2800  }
0xe1: {  	[sflag:s7] =	ssyncset.done $0x0  }
0xe2: {  	[sflag:s7] =	ssyncadd.s32 $0xFFFFD800  }
0xe3: {  	[tilespmem:s5], [sflag:$0x1] =	stream.indirect.gather.add.f32 [hbm:s6], $0x80, s26, s8, $0xb8;
	[tilespmem:$0xA680] =	vst v63  }
0xe4: {  	_ = 	snop  }
0xe5: {  	[tilespmem:s5], [sflag:$0x1] =	stream.indirect.gather.add.f32 [hbm:s6], $0x80, s28, s8, $0xb8;
	[tilespmem:$0xA680] =	vst v63  }
0xe6: {  	_ = 	snop  }
0xe7: {  	[tilespmem:s5], [sflag:$0x1] =	stream.indirect.gather.add.f32 [hbm:s6], $0x80, s29, s8, $0xb8;
	[tilespmem:$0xA680] =	vst v63  }
0xe8: {  	_ = 	snop  }
0xe9: {  	[tilespmem:s5], [sflag:$0x1] =	stream.indirect.gather.add.f32 [hbm:s6], $0x80, s30, s8, $0xb8;
	[tilespmem:$0xA680] =	vst v63  }
0xea: {  	_ =	swait.ge [sflag:s7], $0x2800  }
0xeb: {  	[sflag:s7] =	ssyncset.done $0x0  }
0xec: {  	[sflag:s7] =	ssyncadd.s32 $0xFFFFD800  }
0xed: {  	_ =	swait.ge [sflag:s7], $0x2800  }
0xee: {  	[sflag:s7] =	ssyncset.done $0x0  }
0xef: {  	[sflag:s7] =	ssyncadd.s32 $0xFFFFD800  }
0xf0: {  	_ =	swait.ge [sflag:s7], $0x2800  }
0xf1: {  	[sflag:s7] =	ssyncset.done $0x0  }
0xf2: {  	[sflag:s7] =	ssyncadd.s32 $0xFFFFD800  }
0xf3: {  	_ =	swait.ge [sflag:s7], $0x2800  }
0xf4: {  	[sflag:s7] =	ssyncset.done $0x0  }
0xf5: {  	[sflag:s7] =	ssyncadd.s32 $0xFFFFD800  }
0xf6: {  	[tilespmem:s21], [sflag:$0x1] =	stream.indirect.gather [hbm4b:s6+s8], $0x80, s8, s8, $0xb8;
	[tilespmem:$0xA680] =	vst v63  }
0xf7: {  	_ =	swait.ge [sflag:s7], $0x2800  }
0xf8: {  	[sflag:s7] =	ssyncset.done $0x0  }
0xf9: {  	[sflag:s7] =	ssyncadd.s32 $0xFFFFD800  }
0xfa: {  	[tilespmem:s21], [sflag:$0x1] =	stream.indirect.gather.add.f32 [hbm:s6], $0x80, s22, s8, $0xb8;
	[tilespmem:$0xA680] =	vst v63  }
0xfb: {  	_ = 	snop  }
0xfc: {  	[tilespmem:s21], [sflag:$0x1] =	stream.indirect.gather.add.f32 [hbm:s6], $0x80, s23, s8, $0xb8;
	[tilespmem:$0xA680] =	vst v63  }
0xfd: {  	_ = 	snop  }
0xfe: {  	[tilespmem:s21], [sflag:$0x1] =	stream.indirect.gather.add.f32 [hbm:s6], $0x80, s24, s8, $0xb8;
	[tilespmem:$0xA680] =	vst v63  }
0xff: {  	_ = 	snop  }
0x100: {  	[tilespmem:s21], [sflag:$0x1] =	stream.indirect.gather.add.f32 [hbm:s6], $0x80, s25, s8, $0xb8;
	[tilespmem:$0xA680] =	vst v63  }
0x101: {  	_ =	swait.ge [sflag:s7], $0x2800  }
0x102: {  	[sflag:s7] =	ssyncset.done $0x0  }
0x103: {  	[sflag:s7] =	ssyncadd.s32 $0xFFFFD800  }
0x104: {  	_ =	swait.ge [sflag:s7], $0x2800  }
0x105: {  	[sflag:s7] =	ssyncset.done $0x0  }
0x106: {  	[sflag:s7] =	ssyncadd.s32 $0xFFFFD800  }
0x107: {  	_ =	swait.ge [sflag:s7], $0x2800  }
0x108: {  	[sflag:s7] =	ssyncset.done $0x0  }
0x109: {  	[sflag:s7] =	ssyncadd.s32 $0xFFFFD800  }
0x10a: {  	_ =	swait.ge [sflag:s7], $0x2800  }
0x10b: {  	[sflag:s7] =	ssyncset.done $0x0  }
0x10c: {  	[sflag:s7] =	ssyncadd.s32 $0xFFFFD800  }
0x10d: {  	[tilespmem:s15], [sflag:$0x1] =	stream.indirect.gather [hbm4b:s6+s8], $0x80, s20, s8, $0xb8;
	[tilespmem:$0xA680] =	vst v63  }
0x10e: {  	_ =	swait.ge [sflag:s7], $0x2800  }
0x10f: {  	[sflag:s7] =	ssyncset.done $0x0  }
0x110: {  	[sflag:s7] =	ssyncadd.s32 $0xFFFFD800  }
0x111: {  	[tilespmem:s15], [sflag:$0x1] =	stream.indirect.gather.add.f32 [hbm:s6], $0x80, s16, s8, $0xb8;
	[tilespmem:$0xA680] =	vst v63  }
0x112: {  	_ = 	snop  }
0x113: {  	[tilespmem:s15], [sflag:$0x1] =	stream.indirect.gather.add.f32 [hbm:s6], $0x80, s17, s8, $0xb8;
	[tilespmem:$0xA680] =	vst v63  }
0x114: {  	_ = 	snop  }
0x115: {  	[tilespmem:s15], [sflag:$0x1] =	stream.indirect.gather.add.f32 [hbm:s6], $0x80, s18, s8, $0xb8;
	[tilespmem:$0xA680] =	vst v63  }
0x116: {  	_ = 	snop  }
0x117: {  	[tilespmem:s15], [sflag:$0x1] =	stream.indirect.gather.add.f32 [hbm:s6], $0x80, s19, s8, $0xb8;
	[tilespmem:$0xA680] =	vst v63  }
0x118: {  	_ =	swait.ge [sflag:s7], $0x2800  }
0x119: {  	[sflag:s7] =	ssyncset.done $0x0  }
0x11a: {  	[sflag:s7] =	ssyncadd.s32 $0xFFFFD800  }
0x11b: {  	_ =	swait.ge [sflag:s7], $0x2800  }
0x11c: {  	[sflag:s7] =	ssyncset.done $0x0  }
0x11d: {  	[sflag:s7] =	ssyncadd.s32 $0xFFFFD800  }
0x11e: {  	_ =	swait.ge [sflag:s7], $0x2800  }
0x11f: {  	[sflag:s7] =	ssyncset.done $0x0  }
0x120: {  	[sflag:s7] =	ssyncadd.s32 $0xFFFFD800  }
0x121: {  	_ =	swait.ge [sflag:s7], $0x2800  }
0x122: {  	[sflag:s7] =	ssyncset.done $0x0  }
0x123: {  	[sflag:s7] =	ssyncadd.s32 $0xFFFFD800  }
0x124: {  	[tilespmem:s9], [sflag:$0x1] =	stream.indirect.gather [hbm4b:s6+s8], $0x80, s10, s8, $0xb8;
	[tilespmem:$0xA680] =	vst v63  }
0x125: {  	_ =	swait.ge [sflag:s7], $0x2800  }
0x126: {  	[sflag:s7] =	ssyncset.done $0x0  }
0x127: {  	[sflag:s7] =	ssyncadd.s32 $0xFFFFD800  }
0x128: {  	[tilespmem:s9], [sflag:$0x1] =	stream.indirect.gather.add.f32 [hbm:s6], $0x80, s11, s8, $0xb8;
	[tilespmem:$0xA680] =	vst v63  }
0x129: {  	_ = 	snop  }
0x12a: {  	[tilespmem:s9], [sflag:$0x1] =	stream.indirect.gather.add.f32 [hbm:s6], $0x80, s12, s8, $0xb8;
	[tilespmem:$0xA680] =	vst v63  }
0x12b: {  	_ = 	snop  }
0x12c: {  	[tilespmem:s9], [sflag:$0x1] =	stream.indirect.gather.add.f32 [hbm:s6], $0x80, s13, s8, $0xb8;
	[tilespmem:$0xA680] =	vst v63  }
0x12d: {  	_ = 	snop  }
0x12e: {  	[tilespmem:s9], [sflag:$0x1] =	stream.indirect.gather.add.f32 [hbm:s6], $0x80, s14, s8, $0xb8;
	[tilespmem:$0xA680] =	vst v63  }
0x12f: {  	_ =	swait.ge [sflag:s7], $0x2800  }
0x130: {  	[sflag:s7] =	ssyncset.done $0x0  }
0x131: {  	[sflag:s7] =	ssyncadd.s32 $0xFFFFD800  }
0x132: {  	_ =	swait.ge [sflag:s7], $0x2800  }
0x133: {  	[sflag:s7] =	ssyncset.done $0x0  }
0x134: {  	[sflag:s7] =	ssyncadd.s32 $0xFFFFD800  }
0x135: {  	_ =	swait.ge [sflag:s7], $0x2800  }
0x136: {  	[sflag:s7] =	ssyncset.done $0x0  }
0x137: {  	[sflag:s7] =	ssyncadd.s32 $0xFFFFD800  }
0x138: {  	_ =	swait.ge [sflag:s7], $0x2800  }
0x139: {  	[sflag:s7] =	ssyncset.done $0x0  }
0x13a: {  	[sflag:s7] =	ssyncadd.s32 $0xFFFFD800  }
0x13b: {  	[hbm4b:s4+s2] =	stream.linear.scatter [tilespmem:s5], [sflag:$0x2], $0xA000, $0x38;
	[tilespmem:$0xA680] =	vst v63  }
0x13c: {  	_ =	swait.ge [sflag:s3], $0xA000  }
0x13d: {  	[sflag:s3] =	ssyncset.done $0x0  }
0x13e: {  	[sflag:s3] =	ssyncadd.s32 $0xFFFF6000  }
0x13f: {  	_ =	sfence.sel $0x180000  }
0x140: {  	[bflag:$0x0] =	sbarrier.arrive $0xFFFF  }
0x141: {  	_ =	strace $0x9000004A  }
0x142: {  	[bflag:$0x2] =	sbarrier.arrive $0xFFFF  }
0x143: {  	p0 =	sne.s32 s0, $0x0;
	s0 =	rddreg [dreg:$0x2]  }
0x144: {  	s0 =	sadd.s32 @!p0 $0x100000, s0  }
0x145: {  	[sflag:s0] =	ssyncadd.tile.s32 @!p0 $0x1;
	_ =	shalt  }
.Lfunc_end2:
_tile_overlayer_lowered:
.L_overlay_start_2:
0x146: {  	(tag) =	ssettag $0x2  }
0x147: {  	s0 =	rddreg [dreg:$0x0];
	s2 =	stileid.u32  }
0x148: {  	s1 =	rddreg [dreg:$0x1];
	p0 =	sne.s32 s2, $0x0  }
0x149: {  	s3 =	rddreg [dreg:$0x2];
	[bflag:$0x3] =	sbarrier.arrive $0xFFFF;
	s2 =	simm.s32 @!p0 $0x1C02  }
0x14a: {  	[timem:s3], [sflag:s2] =	dma.local @!p0 [hbm:s0], s1  }
0x14b: {  	s0 =	simm.s32 @!p0 $0x2  }
0x14c: {  	_ =	swait.ge @!p0 [sflag:s0], s1  }
0x14d: {  	s1 =	ssub.s32 @!p0 $0x0, s1;
	[sflag:s0] =	ssyncset.done @!p0 $0x0  }
0x14e: {  	[sflag:s0] =	ssyncadd.s32 @!p0 s1  }
0x14f: {  	[bflag:$0x3] =	sbarrier.arrive $0xFFFF  }
0x150: {  	_ =	shalt  }

// kernel: kernel.7.cloned.1.call-start
scs
__scs_entry_jumppad:
0x0: {  	(pc) =	sbr.rel $0x88, $3  }
0x1: {  	(tag) =	ssettag $0x0;
	lr =	simm.s32 $0x1  }
0x2: {  	[smem:$0x3F8A] =	sst lr;
	_ =	strace $0xD0000000  }
0x3: {  	_ = 	snop  }
0x4: {  	_ = 	snop  }
0x5: {  	_ = 	snop  }
0x6: {  	_ = 	snop  }
0x7: {  	_ = 	snop  }
__scs_overlays_trampoline_lowered:
0x8: {  	[smem:$0x3F99] =	sst s0  }
0x9: {  	[smem:$0x3F9A] =	sst s1  }
0xa: {  	[smem:$0x3F9B] =	sst s2  }
0xb: {  	[smem:$0x3F9C] =	sst s3  }
0xc: {  	[smem:$0x3F9D] =	sst s4  }
0xd: {  	[smem:$0x3F9E] =	sst s5  }
0xe: {  	[smem:$0x3F9F] =	sst s6  }
0xf: {  	[smem:$0x3FA0] =	sst s7  }
0x10: {  	[smem:$0x3FA1] =	sst s8  }
0x11: {  	[smem:$0x3FA2] =	sst s9;
	s0 =	simm.s32 @!p0 $0x0  }
0x12: {  	s1 =	sld [smem:$0x3F88];
	s0 =	simm.s32 @p0 $0x1  }
0x13: {  	[smem:$0x3FA3] =	sst s0;
	s0 =	simm.s32 @!p1 $0x0  }
0x14: {  	s2 =	sld [smem:$0x3F87];
	s0 =	simm.s32 @p1 $0x1  }
0x15: {  	[smem:$0x3FA4] =	sst s0;
	s0 =	simm.s32 @!p2 $0x0  }
0x16: {  	s3 =	sld [smem:$0x3FDB];
	s0 =	simm.s32 @p2 $0x1  }
0x17: {  	s4 =	simm.s32 $0x1BF5;
	[smem:$0x3FA6] =	sst s0  }
0x18: {  	s0 =	sld [smem:$0x3F89];
	_ =	swait.ge [sflag:s4], $0x0  }
0x19: {  	s7 =	sld [smem:$0x3F8A]  }
0x1a: {  	s8 =	sadd.s32 $0xFFFFE003, lr  }
0x1b: {  	s9 =	sadd.s32 $0xFFFFFEF7, lr;
	s5 =	simm.s32 $0xFFFFFFFF;
	p2 =	slt.u32 s8, $0xFFFFF086  }
0x1c: {  	p1 =	slt.u32 s9, $0xF7A;
	s5 =	simm.s32 @!p2 $0x0  }
0x1d: {  	s5 =	simm.s32 @p1 $0x1;
	p0 =	seq.s32 s7, s2  }
0x1e: {  	s7 =	smul.u32 @!p0 $0xF7A, s2;
	p2 =	seq.s32 @!p0 s5, $0x0  }
0x1f: {  	s9 =	smul.u32 $0xF7A, s1;
	s8 =	simm.s32 @!p0 $0x1BF5;
	p2 =	por !p2, p0  }
0x20: {  	[sflag:s8] =	ssyncset.s32 @!p0 $0xFFFFF086;
	s6 =	sadd.s32 @!p0 s3, s7;
	s7 =	simm.s32 @!p0 $0x108  }
0x21: {  	s3 =	sadd.s32 s3, s9;
	s6 =	sadd.s32 @!p0 $0x88, s6;
	s7 =	simm.s32 @p2 $0x1082  }
0x22: {  	[simem:s7], [sflag:s8] =	dma.local @!p0 [hbm:s6], $0xF7A  }
0x23: {  	s9 =	sor.u32 $0xD0000000, s2;
	s6 =	simm.s32 $0x108;
	_ =	swait.ge @!p0 [sflag:s8], $0x0  }
0x24: {  	s3 =	sadd.s32 $0x88, s3;
	s6 =	simm.s32 @!p1 $0x1082;
	[sflag:s4] =	ssyncset.s32 $0xFFFFF086  }
0x25: {  	[simem:s6], [sflag:s4] =	dma.local [hbm:s3], $0xF7A  }
0x26: {  	[smem:$0x3F8A] =	sst s1;
	(tag) =	ssettag s2;
	_ =	strace s9  }
0x27: {  	s1 =	sld [smem:$0x3F9A]  }
0x28: {  	s2 =	sld [smem:$0x3F9B]  }
0x29: {  	s4 =	sld [smem:$0x3F9D]  }
0x2a: {  	p0 =	seq.s32 s5, $0x0;
	s5 =	sld [smem:$0x3F9E]  }
0x2b: {  	s6 =	sld [smem:$0x3F9F]  }
0x2c: {  	s7 =	sld [smem:$0x3FA0]  }
0x2d: {  	s3 =	simm.s32 $0x108;
	s8 =	sld [smem:$0x3FA1]  }
0x2e: {  	s3 =	simm.s32 @!p0 $0x1082;
	s9 =	sld [smem:$0x3FA2]  }
0x2f: {  	lr =	sadd.s32 s0, s3;
	s0 =	sld [smem:$0x3F99]  }
0x30: {  	s3 =	sld [smem:$0x3F9C]  }
0x31: {  	[smem:$0x3FA5] =	sst s10  }
0x32: {  	s10 =	sld [smem:$0x3FA3];
	_ =	sdelay $0x3  }
0x33: {  	p0 =	seq.s32 s10, $0x1;
	s10 =	sld [smem:$0x3FA5];
	_ =	sdelay $0x3  }
0x34: {  	[smem:$0x3FA5] =	sst s10  }
0x35: {  	s10 =	sld [smem:$0x3FA4];
	_ =	sdelay $0x3  }
0x36: {  	p1 =	seq.s32 s10, $0x1;
	s10 =	sld [smem:$0x3FA5];
	_ =	sdelay $0x3  }
0x37: {  	[smem:$0x3FA5] =	sst s10  }
0x38: {  	s10 =	sld [smem:$0x3FA6]  }
0x39: {  	_ = 	snop;
	(pc) =	sbr.ind lr, $3  }
0x3a: {  	_ = 	snop  }
0x3b: {  	_ = 	snop  }
0x3c: {  	p2 =	seq.s32 s10, $0x1;
	s10 =	sld [smem:$0x3FA5]  }
0x3d: {  	_ =	shalt  }
0x3e: {  	_ =	shalt  }
0x3f: {  	_ =	shalt  }
0x40: {  	_ =	shalt  }
0x41: {  	_ =	shalt  }
0x42: {  	_ =	shalt  }
0x43: {  	_ =	shalt  }
0x44: {  	_ =	shalt  }
0x45: {  	_ =	shalt  }
0x46: {  	_ =	shalt  }
0x47: {  	_ =	shalt  }
0x48: {  	_ =	shalt  }
0x49: {  	_ =	shalt  }
0x4a: {  	_ =	shalt  }
0x4b: {  	_ =	shalt  }
0x4c: {  	_ =	shalt  }
0x4d: {  	_ =	shalt  }
0x4e: {  	_ =	shalt  }
0x4f: {  	_ =	shalt  }
0x50: {  	_ =	shalt  }
0x51: {  	_ =	shalt  }
0x52: {  	_ =	shalt  }
0x53: {  	_ =	shalt  }
0x54: {  	_ =	shalt  }
0x55: {  	_ =	shalt  }
0x56: {  	_ =	shalt  }
0x57: {  	_ =	shalt  }
0x58: {  	_ =	shalt  }
0x59: {  	_ =	shalt  }
0x5a: {  	_ =	shalt  }
0x5b: {  	_ =	shalt  }
0x5c: {  	_ =	shalt  }
0x5d: {  	_ =	shalt  }
0x5e: {  	_ =	shalt  }
0x5f: {  	_ =	shalt  }
0x60: {  	_ =	shalt  }
0x61: {  	_ =	shalt  }
0x62: {  	_ =	shalt  }
0x63: {  	_ =	shalt  }
0x64: {  	_ =	shalt  }
0x65: {  	_ =	shalt  }
0x66: {  	_ =	shalt  }
0x67: {  	_ =	shalt  }
0x68: {  	_ =	shalt  }
0x69: {  	_ =	shalt  }
0x6a: {  	_ =	shalt  }
0x6b: {  	_ =	shalt  }
0x6c: {  	_ =	shalt  }
0x6d: {  	_ =	shalt  }
0x6e: {  	_ =	shalt  }
0x6f: {  	_ =	shalt  }
0x70: {  	_ =	shalt  }
0x71: {  	_ =	shalt  }
0x72: {  	_ =	shalt  }
0x73: {  	_ =	shalt  }
0x74: {  	_ =	shalt  }
0x75: {  	_ =	shalt  }
0x76: {  	_ =	shalt  }
0x77: {  	_ =	shalt  }
0x78: {  	_ =	shalt  }
0x79: {  	_ =	shalt  }
0x7a: {  	_ =	shalt  }
0x7b: {  	_ =	shalt  }
0x7c: {  	_ =	shalt  }
0x7d: {  	_ =	shalt  }
0x7e: {  	_ =	shalt  }
0x7f: {  	_ =	shalt  }
0x80: {  	_ =	shalt  }
0x81: {  	_ =	shalt  }
0x82: {  	_ =	shalt  }
0x83: {  	_ =	shalt  }
0x84: {  	_ =	shalt  }
0x85: {  	_ =	shalt  }
0x86: {  	_ =	shalt  }
0x87: {  	_ =	shalt  }
.Lfunc_end0:
.L_simem_size_0:
called_computation_lowered:
.L_overlay_start_0:
0x88: {  	s2 =	sld [smem:$0x3FD9]  }
0x89: {  	s3 =	sld [smem:$0x3FFE];
	_ =	sdelay $0x1  }
0x8a: {  	s1 =	srdreg.scid  }
0x8b: {  	s0 =	sand.u32 $0x1, s1  }
0x8c: {  	s17 =	sshll.u32 s0, $0xA;
	s2 =	sadd.s32 s3, s2  }
0x8d: {  	s2 =	sadd.s32 s2, s17  }
0x8e: {  	[smem:$0x3FB1] =	sst s2  }
0x8f: {  	_ = 	snop  }
0x90: {  	s2 =	sld [smem:$0x3FD0];
	(tm) =	ssettm $0x1  }
0x91: {  	s18 =	sld [smem:$0x3FFB];
	_ =	sdelay $0x3  }
0x92: {  	_ =	strace s18  }
0x93: {  	s3 =	sld [smem:$0x3FFC];
	_ =	sdelay $0x3  }
0x94: {  	_ =	strace s3  }
0x95: {  	s3 =	sld [smem:$0x3FFD];
	_ =	sdelay $0x3  }
0x96: {  	_ =	strace s3  }
0x97: {  	_ =	strace $0x8FFFFFFF  }
0x98: {  	s19 =	sld [smem:$0x3FDB];
	_ =	sdelay $0x1  }
0x99: {  	s4 =	simm.s32 $_scs_section_size  }
0x9a: {  	s5 =	simm.s32 $_size__tile_overlayer_lowered;
	s6 =	simm.s32 $_tile_overlayer_lowered  }
0x9b: {  	s22 =	simm.s32 $0x1BFF;
	s21 =	sshll.u32 s6, $0x1;
	s3 =	sadd.s32 s4, s19  }
0x9c: {  	s7 =	simm.s32 $0x0;
	s20 =	sshll.u32 s5, $0x1;
	s5 =	sadd.s32 s21, s3  }
0x9d: {  	[timem:s7], [sflag:s22] =	dma.local [hbm:s5], s20  }
0x9e: {  	_ =	swait.ge [sflag:s22], s20  }
0x9f: {  	s4 =	ssub.s32 $0x0, s20;
	[sflag:s22] =	ssyncset.done $0x0  }
0xa0: {  	[sflag:s22] =	ssyncadd.s32 s4;
	_ =	sdelay $0x1  }
0xa1: {  	s23 =	simm.s32 $0x1B8B  }
0xa2: {  	_ =	swait.ge [sflag:s23], $0x1  }
0xa3: {  	[sflag:s23] =	ssyncset.done $0x0  }
0xa4: {  	s25 =	simm.s32 $0x1B8E;
	s24 =	sld [smem:$0x3FFE];
	[sflag:s23] =	ssyncadd.s32 $0xFFFFFFFF  }
0xa5: {  	s26 =	simm.s32 $execute0_lowered;
	[smem:$0x3FD2] =	sst s25  }
0xa6: {  	s5 =	sshll.u32 s26, $0x1;
	_ =	strace $0x80000046;
	[dreg:$0x1] =	wrdreg $0xFFFFFFFF  }
0xa7: {  	s28 =	simm.s32 $_size_execute0_lowered;
	s3 =	sadd.s32 s3, s5;
	[dreg:$0x0] =	wrdreg $0x0  }
0xa8: {  	s5 =	sshll.u32 s28, $0x1;
	[dreg:$0x2] =	wrdreg s3  }
0xa9: {  	[dreg:$0x3] =	wrdreg s5  }
0xaa: {  	[dreg:$0x4] =	wrdreg $0xC0  }
0xab: {  	_ =	task [dreg:s7], $0x5FFFF  }
0xac: {  	[dreg:$0x1] =	wrdreg $0xFFFFFFFF  }
0xad: {  	[dreg:$0x0] =	wrdreg $0x60  }
0xae: {  	[dreg:$0x2] =	wrdreg s24  }
0xaf: {  	[dreg:$0x3] =	wrdreg s2  }
0xb0: {  	[dreg:$0x4] =	wrdreg $0x9  }
0xb1: {  	_ =	task.clear_ibuf [dreg:s7], $0x5FFFF;
	_ =	strace $0x90000046  }
0xb2: {  	s29 =	simm.s32 $0x9;
	_ =	strace $0x80000048  }
0xb3: {  	_ =	swait.ge [sflag:s29], $0x1  }
0xb4: {  	[sflag:s29] =	ssyncadd.s32 $0xFFFFFFFF  }
0xb5: {  	_ =	strace $0x90000048  }
0xb6: {  	_ =	sfence  }
0xb7: {  	s30 =	sld [smem:$0x0];
	_ =	sdelay $0x2  }
0xb8: {  	s31 =	sshll.u32 s1, $0xD;
	s1 =	sshrl.u32 s1, $0x2  }
0xb9: {  	s3 =	sand.u32 $0x4000, s31;
	s1 =	sadd.s32 s1, s30  }
0xba: {  	s0 =	sor.u32 s3, s0;
	s1 =	sshll.u32 s1, $0x11  }
0xbb: {  	s0 =	sor.u32 s1, s0  }
0xbc: {  	s0 =	sadd.s32 $0x8F2B, s0  }
0xbd: {  	[sflag:s0] =	ssyncadd.remote.s32 $0x1  }
0xbe: {  	_ =	sfence.sel $0xFFFF  }
0xbf: {  	[dreg:$0x0] =	wrdreg $0xFFFFFFFF;
	(pc) =	sbr.abs _section_cstart, $3  }
0xc0: {  	[dreg:$0x1] =	wrdreg $0xFFFFFFFF  }
0xc1: {  	_ =	task.clear_ibuf [dreg:s7], $0x2FFFF;
	_ =	strace $0x9FFFFFFF  }
0xc2: {  	(tm) =	ssettm $0x7FFFFFFF  }
0xc3: {  	_ =	shalt  }
tec
execute0_lowered:
.L_overlay_start_1:
0x0: {  	(tag) =	ssettag $0x1  }
0x1: {  	s1 =	srdreg.scid  }
0x2: {  	s0 =	stileid.u32;
	s3 =	rddreg [dreg:$0x0]  }
0x3: {  	s4 =	rddreg [dreg:$0x1];
	s8 =	simm.s32 $0x50;
	s28 =	simm.s32 $0x280  }
0x4: {  	s29 =	simm.s32 $0x3C0;
	s30 =	simm.s32 $0x500;
	s21 =	simm.s32 $0x2E80  }
0x5: {  	s22 =	simm.s32 $0x190;
	s23 =	simm.s32 $0x2D0;
	s24 =	simm.s32 $0x410  }
0x6: {  	s25 =	simm.s32 $0x550;
	s20 =	simm.s32 $0xA0;
	s15 =	simm.s32 $0x5680  }
0x7: {  	s16 =	simm.s32 $0x1E0;
	s17 =	simm.s32 $0x320;
	s18 =	simm.s32 $0x460  }
0x8: {  	s19 =	simm.s32 $0x5A0;
	s1 =	sand.u32 $0x1, s1;
	s2 =	sshll.u32 s0, $0x1  }
0x9: {  	s10 =	simm.s32 $0xF0;
	s5 =	sor.u32 s1, s2;
	s1 =	ssub.s32 $0x2, s1  }
0xa: {  	p0 =	por $0x0, $0x0;
	s9 =	simm.s32 $0x7E80;
	s26 =	sshrl.u32 s1, $0x1  }
0xb: {  	s11 =	simm.s32 $0x230;
	s12 =	simm.s32 $0x370;
	s1 =	ssub.s32 s1, s26  }
0xc: {  	s13 =	simm.s32 $0x4B0;
	s7 =	smul.u32 $0x1400, s5;
	s1 =	smax.u32 s1, $0x1  }
0xd: {  	s2 =	simm.s32 $0x0;
	s5 =	smul.u32 $0xC8, s5;
	p1 =	sne.s32 s1, $0x1  }
.Ltmp0:
0xe: {  	s14 =	simm.s32 $0x5F0;
	[smem:$0x7FF] =	sst s2;
	(pc) =	sbr.rel @!p1 .LBB2_3-.Ltmp0, $4  }
0xf: {  	s6 =	sadd.s32 $0x4E00, s3;
	_ =	strace $0x80000047;
	s26 =	simm.s32 $0x140  }
0x10: {  	s3 =	sadd.s32 s7, s3;
	s4 =	sadd.s32 s4, s5;
	s5 =	simm.s32 $0x680  }
0x11: {  	s7 =	simm.s32 $0x1;
	[dreg:$0x3] =	wrdreg s4;
	s4 =	sadd.s32 $0x2CE00, s3  }
0x12: {  	s3 =	simm.s32 $0x2;
	s31 =	sadd.s32 $0xFFFFFFFF, s1;
	s1 =	rddreg [dreg:$0x3]  }
0x13: {  	[tilespmem:s2], [sflag:$0x2] =	stream.linear.gather [hbm4b:s1+s2], $0x640, $0x38;
	[tilespmem:$0xA680] =	vst v63  }
0x14: {  	_ =	swait.ge [sflag:s3], $0x640  }
0x15: {  	[sflag:s3] =	ssyncset.done $0x0  }
0x16: {  	[sflag:s3] =	ssyncadd.s32 $0xFFFFF9C0  }
0x17: {  	[tilespmem:s5], [sflag:$0x1] =	stream.indirect.gather [hbm4b:s6+s8], $0x80, s2, s8, $0xb8;
	[tilespmem:$0xA680] =	vst v63  }
0x18: {  	_ =	swait.ge [sflag:s7], $0x2800  }
0x19: {  	[sflag:s7] =	ssyncset.done $0x0  }
0x1a: {  	[sflag:s7] =	ssyncadd.s32 $0xFFFFD800  }
0x1b: {  	[tilespmem:s5], [sflag:$0x1] =	stream.indirect.gather.add.f32 [hbm:s6], $0x80, s26, s8, $0xb8;
	[tilespmem:$0xA680] =	vst v63  }
0x1c: {  	_ = 	snop  }
0x1d: {  	[tilespmem:s5], [sflag:$0x1] =	stream.indirect.gather.add.f32 [hbm:s6], $0x80, s28, s8, $0xb8;
	[tilespmem:$0xA680] =	vst v63  }
0x1e: {  	_ = 	snop  }
0x1f: {  	[tilespmem:s5], [sflag:$0x1] =	stream.indirect.gather.add.f32 [hbm:s6], $0x80, s29, s8, $0xb8;
	[tilespmem:$0xA680] =	vst v63  }
0x20: {  	_ = 	snop  }
0x21: {  	[tilespmem:s5], [sflag:$0x1] =	stream.indirect.gather.add.f32 [hbm:s6], $0x80, s30, s8, $0xb8;
	[tilespmem:$0xA680] =	vst v63  }
0x22: {  	_ =	swait.ge [sflag:s7], $0x2800  }
0x23: {  	[sflag:s7] =	ssyncset.done $0x0  }
0x24: {  	[sflag:s7] =	ssyncadd.s32 $0xFFFFD800  }
0x25: {  	_ =	swait.ge [sflag:s7], $0x2800  }
0x26: {  	[sflag:s7] =	ssyncset.done $0x0  }
0x27: {  	[sflag:s7] =	ssyncadd.s32 $0xFFFFD800  }
0x28: {  	_ =	swait.ge [sflag:s7], $0x2800  }
0x29: {  	[sflag:s7] =	ssyncset.done $0x0  }
0x2a: {  	[sflag:s7] =	ssyncadd.s32 $0xFFFFD800  }
0x2b: {  	_ =	swait.ge [sflag:s7], $0x2800  }
0x2c: {  	[sflag:s7] =	ssyncset.done $0x0  }
0x2d: {  	[sflag:s7] =	ssyncadd.s32 $0xFFFFD800  }
0x2e: {  	[tilespmem:s21], [sflag:$0x1] =	stream.indirect.gather [hbm4b:s6+s8], $0x80, s8, s8, $0xb8;
	[tilespmem:$0xA680] =	vst v63  }
0x2f: {  	_ =	swait.ge [sflag:s7], $0x2800  }
0x30: {  	[sflag:s7] =	ssyncset.done $0x0  }
0x31: {  	[sflag:s7] =	ssyncadd.s32 $0xFFFFD800  }
0x32: {  	[tilespmem:s21], [sflag:$0x1] =	stream.indirect.gather.add.f32 [hbm:s6], $0x80, s22, s8, $0xb8;
	[tilespmem:$0xA680] =	vst v63  }
0x33: {  	_ = 	snop  }
0x34: {  	[tilespmem:s21], [sflag:$0x1] =	stream.indirect.gather.add.f32 [hbm:s6], $0x80, s23, s8, $0xb8;
	[tilespmem:$0xA680] =	vst v63  }
0x35: {  	_ = 	snop  }
0x36: {  	[tilespmem:s21], [sflag:$0x1] =	stream.indirect.gather.add.f32 [hbm:s6], $0x80, s24, s8, $0xb8;
	[tilespmem:$0xA680] =	vst v63  }
0x37: {  	_ = 	snop  }
0x38: {  	[tilespmem:s21], [sflag:$0x1] =	stream.indirect.gather.add.f32 [hbm:s6], $0x80, s25, s8, $0xb8;
	[tilespmem:$0xA680] =	vst v63  }
0x39: {  	_ =	swait.ge [sflag:s7], $0x2800  }
0x3a: {  	[sflag:s7] =	ssyncset.done $0x0  }
0x3b: {  	[sflag:s7] =	ssyncadd.s32 $0xFFFFD800  }
0x3c: {  	_ =	swait.ge [sflag:s7], $0x2800  }
0x3d: {  	[sflag:s7] =	ssyncset.done $0x0  }
0x3e: {  	[sflag:s7] =	ssyncadd.s32 $0xFFFFD800  }
0x3f: {  	_ =	swait.ge [sflag:s7], $0x2800  }
0x40: {  	[sflag:s7] =	ssyncset.done $0x0  }
0x41: {  	[sflag:s7] =	ssyncadd.s32 $0xFFFFD800  }
0x42: {  	_ =	swait.ge [sflag:s7], $0x2800  }
0x43: {  	[sflag:s7] =	ssyncset.done $0x0  }
0x44: {  	[sflag:s7] =	ssyncadd.s32 $0xFFFFD800  }
0x45: {  	[tilespmem:s15], [sflag:$0x1] =	stream.indirect.gather [hbm4b:s6+s8], $0x80, s20, s8, $0xb8;
	[tilespmem:$0xA680] =	vst v63  }
0x46: {  	_ =	swait.ge [sflag:s7], $0x2800  }
0x47: {  	[sflag:s7] =	ssyncset.done $0x0  }
0x48: {  	[sflag:s7] =	ssyncadd.s32 $0xFFFFD800  }
0x49: {  	[tilespmem:s15], [sflag:$0x1] =	stream.indirect.gather.add.f32 [hbm:s6], $0x80, s16, s8, $0xb8;
	[tilespmem:$0xA680] =	vst v63  }
0x4a: {  	_ = 	snop  }
0x4b: {  	[tilespmem:s15], [sflag:$0x1] =	stream.indirect.gather.add.f32 [hbm:s6], $0x80, s17, s8, $0xb8;
	[tilespmem:$0xA680] =	vst v63  }
0x4c: {  	_ = 	snop  }
0x4d: {  	[tilespmem:s15], [sflag:$0x1] =	stream.indirect.gather.add.f32 [hbm:s6], $0x80, s18, s8, $0xb8;
	[tilespmem:$0xA680] =	vst v63  }
0x4e: {  	_ = 	snop  }
0x4f: {  	[tilespmem:s15], [sflag:$0x1] =	stream.indirect.gather.add.f32 [hbm:s6], $0x80, s19, s8, $0xb8;
	[tilespmem:$0xA680] =	vst v63  }
0x50: {  	_ =	swait.ge [sflag:s7], $0x2800  }
0x51: {  	[sflag:s7] =	ssyncset.done $0x0  }
0x52: {  	[sflag:s7] =	ssyncadd.s32 $0xFFFFD800  }
0x53: {  	_ =	swait.ge [sflag:s7], $0x2800  }
0x54: {  	[sflag:s7] =	ssyncset.done $0x0  }
0x55: {  	[sflag:s7] =	ssyncadd.s32 $0xFFFFD800  }
0x56: {  	_ =	swait.ge [sflag:s7], $0x2800  }
0x57: {  	[sflag:s7] =	ssyncset.done $0x0  }
0x58: {  	[sflag:s7] =	ssyncadd.s32 $0xFFFFD800  }
0x59: {  	_ =	swait.ge [sflag:s7], $0x2800  }
0x5a: {  	[sflag:s7] =	ssyncset.done $0x0  }
0x5b: {  	[sflag:s7] =	ssyncadd.s32 $0xFFFFD800  }
0x5c: {  	[tilespmem:s9], [sflag:$0x1] =	stream.indirect.gather [hbm4b:s6+s8], $0x80, s10, s8, $0xb8;
	[tilespmem:$0xA680] =	vst v63  }
0x5d: {  	_ =	swait.ge [sflag:s7], $0x2800  }
0x5e: {  	[sflag:s7] =	ssyncset.done $0x0  }
0x5f: {  	[sflag:s7] =	ssyncadd.s32 $0xFFFFD800  }
0x60: {  	[tilespmem:s9], [sflag:$0x1] =	stream.indirect.gather.add.f32 [hbm:s6], $0x80, s11, s8, $0xb8;
	[tilespmem:$0xA680] =	vst v63  }
0x61: {  	_ = 	snop  }
0x62: {  	[tilespmem:s9], [sflag:$0x1] =	stream.indirect.gather.add.f32 [hbm:s6], $0x80, s12, s8, $0xb8;
	[tilespmem:$0xA680] =	vst v63  }
0x63: {  	_ = 	snop  }
0x64: {  	[tilespmem:s9], [sflag:$0x1] =	stream.indirect.gather.add.f32 [hbm:s6], $0x80, s13, s8, $0xb8;
	[tilespmem:$0xA680] =	vst v63  }
0x65: {  	_ = 	snop  }
0x66: {  	[tilespmem:s9], [sflag:$0x1] =	stream.indirect.gather.add.f32 [hbm:s6], $0x80, s14, s8, $0xb8;
	[tilespmem:$0xA680] =	vst v63  }
0x67: {  	_ =	swait.ge [sflag:s7], $0x2800  }
0x68: {  	[sflag:s7] =	ssyncset.done $0x0  }
0x69: {  	[sflag:s7] =	ssyncadd.s32 $0xFFFFD800  }
0x6a: {  	_ =	swait.ge [sflag:s7], $0x2800  }
0x6b: {  	[sflag:s7] =	ssyncset.done $0x0  }
0x6c: {  	[sflag:s7] =	ssyncadd.s32 $0xFFFFD800  }
0x6d: {  	_ =	swait.ge [sflag:s7], $0x2800  }
0x6e: {  	[sflag:s7] =	ssyncset.done $0x0  }
0x6f: {  	[sflag:s7] =	ssyncadd.s32 $0xFFFFD800  }
0x70: {  	p1 =	sne.s32 s31, $0x1;
	_ =	swait.ge [sflag:s7], $0x2800  }
.Ltmp1:
0x71: {  	[sflag:s7] =	ssyncset.done $0x0;
	(pc) =	sbr.rel @!p1 .LBB2_3-.Ltmp1, $4  }
0x72: {  	[sflag:s7] =	ssyncadd.s32 $0xFFFFD800  }
0x73: {  	[hbm4b:s4+s2] =	stream.linear.scatter [tilespmem:s5], [sflag:$0x2], $0xA000, $0x38;
	[tilespmem:$0xA680] =	vst v63  }
0x74: {  	s31 =	sadd.s32 $0xFFFFFFFF, s31;
	_ =	swait.ge [sflag:s3], $0xA000  }
0x75: {  	p0 =	por $0x1, $0x1;
	s1 =	rddreg [dreg:$0x3];
	[sflag:s3] =	ssyncset.done $0x0  }
.LBB2_2:
0x76: {  	[sflag:s3] =	ssyncadd.s32 $0xFFFF6000  }
0x77: {  	[tilespmem:s2], [sflag:$0x2] =	stream.linear.gather [hbm4b:s1+s2], $0x640, $0x38;
	[tilespmem:$0xA680] =	vst v63  }
0x78: {  	_ =	swait.ge [sflag:s3], $0x640  }
0x79: {  	[sflag:s3] =	ssyncset.done $0x0  }
0x7a: {  	[sflag:s3] =	ssyncadd.s32 $0xFFFFF9C0  }
0x7b: {  	[tilespmem:s5], [sflag:$0x1] =	stream.indirect.gather [hbm4b:s6+s8], $0x80, s2, s8, $0xb8;
	[tilespmem:$0xA680] =	vst v63  }
0x7c: {  	_ =	swait.ge [sflag:s7], $0x2800  }
0x7d: {  	[sflag:s7] =	ssyncset.done $0x0  }
0x7e: {  	[sflag:s7] =	ssyncadd.s32 $0xFFFFD800  }
0x7f: {  	[tilespmem:s5], [sflag:$0x1] =	stream.indirect.gather.add.f32 [hbm:s6], $0x80, s26, s8, $0xb8;
	[tilespmem:$0xA680] =	vst v63  }
0x80: {  	_ = 	snop  }
0x81: {  	[tilespmem:s5], [sflag:$0x1] =	stream.indirect.gather.add.f32 [hbm:s6], $0x80, s28, s8, $0xb8;
	[tilespmem:$0xA680] =	vst v63  }
0x82: {  	_ = 	snop  }
0x83: {  	[tilespmem:s5], [sflag:$0x1] =	stream.indirect.gather.add.f32 [hbm:s6], $0x80, s29, s8, $0xb8;
	[tilespmem:$0xA680] =	vst v63  }
0x84: {  	_ = 	snop  }
0x85: {  	[tilespmem:s5], [sflag:$0x1] =	stream.indirect.gather.add.f32 [hbm:s6], $0x80, s30, s8, $0xb8;
	[tilespmem:$0xA680] =	vst v63  }
0x86: {  	_ =	swait.ge [sflag:s7], $0x2800  }
0x87: {  	[sflag:s7] =	ssyncset.done $0x0  }
0x88: {  	[sflag:s7] =	ssyncadd.s32 $0xFFFFD800  }
0x89: {  	_ =	swait.ge [sflag:s7], $0x2800  }
0x8a: {  	[sflag:s7] =	ssyncset.done $0x0  }
0x8b: {  	[sflag:s7] =	ssyncadd.s32 $0xFFFFD800  }
0x8c: {  	_ =	swait.ge [sflag:s7], $0x2800  }
0x8d: {  	[sflag:s7] =	ssyncset.done $0x0  }
0x8e: {  	[sflag:s7] =	ssyncadd.s32 $0xFFFFD800  }
0x8f: {  	_ =	swait.ge [sflag:s7], $0x2800  }
0x90: {  	[sflag:s7] =	ssyncset.done $0x0  }
0x91: {  	[sflag:s7] =	ssyncadd.s32 $0xFFFFD800  }
0x92: {  	[tilespmem:s21], [sflag:$0x1] =	stream.indirect.gather [hbm4b:s6+s8], $0x80, s8, s8, $0xb8;
	[tilespmem:$0xA680] =	vst v63  }
0x93: {  	_ =	swait.ge [sflag:s7], $0x2800  }
0x94: {  	[sflag:s7] =	ssyncset.done $0x0  }
0x95: {  	[sflag:s7] =	ssyncadd.s32 $0xFFFFD800  }
0x96: {  	[tilespmem:s21], [sflag:$0x1] =	stream.indirect.gather.add.f32 [hbm:s6], $0x80, s22, s8, $0xb8;
	[tilespmem:$0xA680] =	vst v63  }
0x97: {  	_ = 	snop  }
0x98: {  	[tilespmem:s21], [sflag:$0x1] =	stream.indirect.gather.add.f32 [hbm:s6], $0x80, s23, s8, $0xb8;
	[tilespmem:$0xA680] =	vst v63  }
0x99: {  	_ = 	snop  }
0x9a: {  	[tilespmem:s21], [sflag:$0x1] =	stream.indirect.gather.add.f32 [hbm:s6], $0x80, s24, s8, $0xb8;
	[tilespmem:$0xA680] =	vst v63  }
0x9b: {  	_ = 	snop  }
0x9c: {  	[tilespmem:s21], [sflag:$0x1] =	stream.indirect.gather.add.f32 [hbm:s6], $0x80, s25, s8, $0xb8;
	[tilespmem:$0xA680] =	vst v63  }
0x9d: {  	_ =	swait.ge [sflag:s7], $0x2800  }
0x9e: {  	[sflag:s7] =	ssyncset.done $0x0  }
0x9f: {  	[sflag:s7] =	ssyncadd.s32 $0xFFFFD800  }
0xa0: {  	_ =	swait.ge [sflag:s7], $0x2800  }
0xa1: {  	[sflag:s7] =	ssyncset.done $0x0  }
0xa2: {  	[sflag:s7] =	ssyncadd.s32 $0xFFFFD800  }
0xa3: {  	_ =	swait.ge [sflag:s7], $0x2800  }
0xa4: {  	[sflag:s7] =	ssyncset.done $0x0  }
0xa5: {  	[sflag:s7] =	ssyncadd.s32 $0xFFFFD800  }
0xa6: {  	_ =	swait.ge [sflag:s7], $0x2800  }
0xa7: {  	[sflag:s7] =	ssyncset.done $0x0  }
0xa8: {  	[sflag:s7] =	ssyncadd.s32 $0xFFFFD800  }
0xa9: {  	[tilespmem:s15], [sflag:$0x1] =	stream.indirect.gather [hbm4b:s6+s8], $0x80, s20, s8, $0xb8;
	[tilespmem:$0xA680] =	vst v63  }
0xaa: {  	_ =	swait.ge [sflag:s7], $0x2800  }
0xab: {  	[sflag:s7] =	ssyncset.done $0x0  }
0xac: {  	[sflag:s7] =	ssyncadd.s32 $0xFFFFD800  }
0xad: {  	[tilespmem:s15], [sflag:$0x1] =	stream.indirect.gather.add.f32 [hbm:s6], $0x80, s16, s8, $0xb8;
	[tilespmem:$0xA680] =	vst v63  }
0xae: {  	_ = 	snop  }
0xaf: {  	[tilespmem:s15], [sflag:$0x1] =	stream.indirect.gather.add.f32 [hbm:s6], $0x80, s17, s8, $0xb8;
	[tilespmem:$0xA680] =	vst v63  }
0xb0: {  	_ = 	snop  }
0xb1: {  	[tilespmem:s15], [sflag:$0x1] =	stream.indirect.gather.add.f32 [hbm:s6], $0x80, s18, s8, $0xb8;
	[tilespmem:$0xA680] =	vst v63  }
0xb2: {  	_ = 	snop  }
0xb3: {  	[tilespmem:s15], [sflag:$0x1] =	stream.indirect.gather.add.f32 [hbm:s6], $0x80, s19, s8, $0xb8;
	[tilespmem:$0xA680] =	vst v63  }
0xb4: {  	_ =	swait.ge [sflag:s7], $0x2800  }
0xb5: {  	[sflag:s7] =	ssyncset.done $0x0  }
0xb6: {  	[sflag:s7] =	ssyncadd.s32 $0xFFFFD800  }
0xb7: {  	_ =	swait.ge [sflag:s7], $0x2800  }
0xb8: {  	[sflag:s7] =	ssyncset.done $0x0  }
0xb9: {  	[sflag:s7] =	ssyncadd.s32 $0xFFFFD800  }
0xba: {  	_ =	swait.ge [sflag:s7], $0x2800  }
0xbb: {  	[sflag:s7] =	ssyncset.done $0x0  }
0xbc: {  	[sflag:s7] =	ssyncadd.s32 $0xFFFFD800  }
0xbd: {  	_ =	swait.ge [sflag:s7], $0x2800  }
0xbe: {  	[sflag:s7] =	ssyncset.done $0x0  }
0xbf: {  	[sflag:s7] =	ssyncadd.s32 $0xFFFFD800  }
0xc0: {  	[tilespmem:s9], [sflag:$0x1] =	stream.indirect.gather [hbm4b:s6+s8], $0x80, s10, s8, $0xb8;
	[tilespmem:$0xA680] =	vst v63  }
0xc1: {  	_ =	swait.ge [sflag:s7], $0x2800  }
0xc2: {  	[sflag:s7] =	ssyncset.done $0x0  }
0xc3: {  	[sflag:s7] =	ssyncadd.s32 $0xFFFFD800  }
0xc4: {  	[tilespmem:s9], [sflag:$0x1] =	stream.indirect.gather.add.f32 [hbm:s6], $0x80, s11, s8, $0xb8;
	[tilespmem:$0xA680] =	vst v63  }
0xc5: {  	_ = 	snop  }
0xc6: {  	[tilespmem:s9], [sflag:$0x1] =	stream.indirect.gather.add.f32 [hbm:s6], $0x80, s12, s8, $0xb8;
	[tilespmem:$0xA680] =	vst v63  }
0xc7: {  	_ = 	snop  }
0xc8: {  	[tilespmem:s9], [sflag:$0x1] =	stream.indirect.gather.add.f32 [hbm:s6], $0x80, s13, s8, $0xb8;
	[tilespmem:$0xA680] =	vst v63  }
0xc9: {  	_ = 	snop  }
0xca: {  	[tilespmem:s9], [sflag:$0x1] =	stream.indirect.gather.add.f32 [hbm:s6], $0x80, s14, s8, $0xb8;
	[tilespmem:$0xA680] =	vst v63  }
0xcb: {  	_ =	swait.ge [sflag:s7], $0x2800  }
0xcc: {  	[sflag:s7] =	ssyncset.done $0x0  }
0xcd: {  	[sflag:s7] =	ssyncadd.s32 $0xFFFFD800  }
0xce: {  	_ =	swait.ge [sflag:s7], $0x2800  }
0xcf: {  	[sflag:s7] =	ssyncset.done $0x0  }
0xd0: {  	[sflag:s7] =	ssyncadd.s32 $0xFFFFD800  }
0xd1: {  	_ =	swait.ge [sflag:s7], $0x2800  }
0xd2: {  	[sflag:s7] =	ssyncset.done $0x0  }
0xd3: {  	[sflag:s7] =	ssyncadd.s32 $0xFFFFD800  }
0xd4: {  	p1 =	sne.s32 s31, $0x1;
	_ =	swait.ge [sflag:s7], $0x2800  }
.Ltmp2:
0xd5: {  	[sflag:s7] =	ssyncset.done $0x0;
	(pc) =	sbr.rel @p1 .LBB2_2-.Ltmp2, $4  }
0xd6: {  	[sflag:s7] =	ssyncadd.s32 $0xFFFFD800  }
0xd7: {  	[hbm4b:s4+s2] =	stream.linear.scatter [tilespmem:s5], [sflag:$0x2], $0xA000, $0x38;
	[tilespmem:$0xA680] =	vst v63  }
0xd8: {  	_ =	swait.ge [sflag:s3], $0xA000  }
0xd9: {  	s31 =	sadd.s32 $0xFFFFFFFF, s31;
	s1 =	rddreg [dreg:$0x3];
	[sflag:s3] =	ssyncset.done $0x0  }
.LBB2_3:
0xda: {  	[sflag:s3] =	ssyncadd.s32 @p0 $0xFFFF6000  }
0xdb: {  	[tilespmem:s2], [sflag:$0x2] =	stream.linear.gather [hbm4b:s1+s2], $0x640, $0x38;
	[tilespmem:$0xA680] =	vst v63  }
0xdc: {  	_ =	swait.ge [sflag:s3], $0x640  }
0xdd: {  	[sflag:s3] =	ssyncset.done $0x0  }
0xde: {  	[sflag:s3] =	ssyncadd.s32 $0xFFFFF9C0  }
0xdf: {  	[tilespmem:s5], [sflag:$0x1] =	stream.indirect.gather [hbm4b:s6+s8], $0x80, s2, s8, $0xb8;
	[tilespmem:$0xA680] =	vst v63  }
0xe0: {  	_ =	swait.ge [sflag:s7], $0x2800  }
0xe1: {  	[sflag:s7] =	ssyncset.done $0x0  }
0xe2: {  	[sflag:s7] =	ssyncadd.s32 $0xFFFFD800  }
0xe3: {  	[tilespmem:s5], [sflag:$0x1] =	stream.indirect.gather.add.f32 [hbm:s6], $0x80, s26, s8, $0xb8;
	[tilespmem:$0xA680] =	vst v63  }
0xe4: {  	_ = 	snop  }
0xe5: {  	[tilespmem:s5], [sflag:$0x1] =	stream.indirect.gather.add.f32 [hbm:s6], $0x80, s28, s8, $0xb8;
	[tilespmem:$0xA680] =	vst v63  }
0xe6: {  	_ = 	snop  }
0xe7: {  	[tilespmem:s5], [sflag:$0x1] =	stream.indirect.gather.add.f32 [hbm:s6], $0x80, s29, s8, $0xb8;
	[tilespmem:$0xA680] =	vst v63  }
0xe8: {  	_ = 	snop  }
0xe9: {  	[tilespmem:s5], [sflag:$0x1] =	stream.indirect.gather.add.f32 [hbm:s6], $0x80, s30, s8, $0xb8;
	[tilespmem:$0xA680] =	vst v63  }
0xea: {  	_ =	swait.ge [sflag:s7], $0x2800  }
0xeb: {  	[sflag:s7] =	ssyncset.done $0x0  }
0xec: {  	[sflag:s7] =	ssyncadd.s32 $0xFFFFD800  }
0xed: {  	_ =	swait.ge [sflag:s7], $0x2800  }
0xee: {  	[sflag:s7] =	ssyncset.done $0x0  }
0xef: {  	[sflag:s7] =	ssyncadd.s32 $0xFFFFD800  }
0xf0: {  	_ =	swait.ge [sflag:s7], $0x2800  }
0xf1: {  	[sflag:s7] =	ssyncset.done $0x0  }
0xf2: {  	[sflag:s7] =	ssyncadd.s32 $0xFFFFD800  }
0xf3: {  	_ =	swait.ge [sflag:s7], $0x2800  }
0xf4: {  	[sflag:s7] =	ssyncset.done $0x0  }
0xf5: {  	[sflag:s7] =	ssyncadd.s32 $0xFFFFD800  }
0xf6: {  	[tilespmem:s21], [sflag:$0x1] =	stream.indirect.gather [hbm4b:s6+s8], $0x80, s8, s8, $0xb8;
	[tilespmem:$0xA680] =	vst v63  }
0xf7: {  	_ =	swait.ge [sflag:s7], $0x2800  }
0xf8: {  	[sflag:s7] =	ssyncset.done $0x0  }
0xf9: {  	[sflag:s7] =	ssyncadd.s32 $0xFFFFD800  }
0xfa: {  	[tilespmem:s21], [sflag:$0x1] =	stream.indirect.gather.add.f32 [hbm:s6], $0x80, s22, s8, $0xb8;
	[tilespmem:$0xA680] =	vst v63  }
0xfb: {  	_ = 	snop  }
0xfc: {  	[tilespmem:s21], [sflag:$0x1] =	stream.indirect.gather.add.f32 [hbm:s6], $0x80, s23, s8, $0xb8;
	[tilespmem:$0xA680] =	vst v63  }
0xfd: {  	_ = 	snop  }
0xfe: {  	[tilespmem:s21], [sflag:$0x1] =	stream.indirect.gather.add.f32 [hbm:s6], $0x80, s24, s8, $0xb8;
	[tilespmem:$0xA680] =	vst v63  }
0xff: {  	_ = 	snop  }
0x100: {  	[tilespmem:s21], [sflag:$0x1] =	stream.indirect.gather.add.f32 [hbm:s6], $0x80, s25, s8, $0xb8;
	[tilespmem:$0xA680] =	vst v63  }
0x101: {  	_ =	swait.ge [sflag:s7], $0x2800  }
0x102: {  	[sflag:s7] =	ssyncset.done $0x0  }
0x103: {  	[sflag:s7] =	ssyncadd.s32 $0xFFFFD800  }
0x104: {  	_ =	swait.ge [sflag:s7], $0x2800  }
0x105: {  	[sflag:s7] =	ssyncset.done $0x0  }
0x106: {  	[sflag:s7] =	ssyncadd.s32 $0xFFFFD800  }
0x107: {  	_ =	swait.ge [sflag:s7], $0x2800  }
0x108: {  	[sflag:s7] =	ssyncset.done $0x0  }
0x109: {  	[sflag:s7] =	ssyncadd.s32 $0xFFFFD800  }
0x10a: {  	_ =	swait.ge [sflag:s7], $0x2800  }
0x10b: {  	[sflag:s7] =	ssyncset.done $0x0  }
0x10c: {  	[sflag:s7] =	ssyncadd.s32 $0xFFFFD800  }
0x10d: {  	[tilespmem:s15], [sflag:$0x1] =	stream.indirect.gather [hbm4b:s6+s8], $0x80, s20, s8, $0xb8;
	[tilespmem:$0xA680] =	vst v63  }
0x10e: {  	_ =	swait.ge [sflag:s7], $0x2800  }
0x10f: {  	[sflag:s7] =	ssyncset.done $0x0  }
0x110: {  	[sflag:s7] =	ssyncadd.s32 $0xFFFFD800  }
0x111: {  	[tilespmem:s15], [sflag:$0x1] =	stream.indirect.gather.add.f32 [hbm:s6], $0x80, s16, s8, $0xb8;
	[tilespmem:$0xA680] =	vst v63  }
0x112: {  	_ = 	snop  }
0x113: {  	[tilespmem:s15], [sflag:$0x1] =	stream.indirect.gather.add.f32 [hbm:s6], $0x80, s17, s8, $0xb8;
	[tilespmem:$0xA680] =	vst v63  }
0x114: {  	_ = 	snop  }
0x115: {  	[tilespmem:s15], [sflag:$0x1] =	stream.indirect.gather.add.f32 [hbm:s6], $0x80, s18, s8, $0xb8;
	[tilespmem:$0xA680] =	vst v63  }
0x116: {  	_ = 	snop  }
0x117: {  	[tilespmem:s15], [sflag:$0x1] =	stream.indirect.gather.add.f32 [hbm:s6], $0x80, s19, s8, $0xb8;
	[tilespmem:$0xA680] =	vst v63  }
0x118: {  	_ =	swait.ge [sflag:s7], $0x2800  }
0x119: {  	[sflag:s7] =	ssyncset.done $0x0  }
0x11a: {  	[sflag:s7] =	ssyncadd.s32 $0xFFFFD800  }
0x11b: {  	_ =	swait.ge [sflag:s7], $0x2800  }
0x11c: {  	[sflag:s7] =	ssyncset.done $0x0  }
0x11d: {  	[sflag:s7] =	ssyncadd.s32 $0xFFFFD800  }
0x11e: {  	_ =	swait.ge [sflag:s7], $0x2800  }
0x11f: {  	[sflag:s7] =	ssyncset.done $0x0  }
0x120: {  	[sflag:s7] =	ssyncadd.s32 $0xFFFFD800  }
0x121: {  	_ =	swait.ge [sflag:s7], $0x2800  }
0x122: {  	[sflag:s7] =	ssyncset.done $0x0  }
0x123: {  	[sflag:s7] =	ssyncadd.s32 $0xFFFFD800  }
0x124: {  	[tilespmem:s9], [sflag:$0x1] =	stream.indirect.gather [hbm4b:s6+s8], $0x80, s10, s8, $0xb8;
	[tilespmem:$0xA680] =	vst v63  }
0x125: {  	_ =	swait.ge [sflag:s7], $0x2800  }
0x126: {  	[sflag:s7] =	ssyncset.done $0x0  }
0x127: {  	[sflag:s7] =	ssyncadd.s32 $0xFFFFD800  }
0x128: {  	[tilespmem:s9], [sflag:$0x1] =	stream.indirect.gather.add.f32 [hbm:s6], $0x80, s11, s8, $0xb8;
	[tilespmem:$0xA680] =	vst v63  }
0x129: {  	_ = 	snop  }
0x12a: {  	[tilespmem:s9], [sflag:$0x1] =	stream.indirect.gather.add.f32 [hbm:s6], $0x80, s12, s8, $0xb8;
	[tilespmem:$0xA680] =	vst v63  }
0x12b: {  	_ = 	snop  }
0x12c: {  	[tilespmem:s9], [sflag:$0x1] =	stream.indirect.gather.add.f32 [hbm:s6], $0x80, s13, s8, $0xb8;
	[tilespmem:$0xA680] =	vst v63  }
0x12d: {  	_ = 	snop  }
0x12e: {  	[tilespmem:s9], [sflag:$0x1] =	stream.indirect.gather.add.f32 [hbm:s6], $0x80, s14, s8, $0xb8;
	[tilespmem:$0xA680] =	vst v63  }
0x12f: {  	_ =	swait.ge [sflag:s7], $0x2800  }
0x130: {  	[sflag:s7] =	ssyncset.done $0x0  }
0x131: {  	[sflag:s7] =	ssyncadd.s32 $0xFFFFD800  }
0x132: {  	_ =	swait.ge [sflag:s7], $0x2800  }
0x133: {  	[sflag:s7] =	ssyncset.done $0x0  }
0x134: {  	[sflag:s7] =	ssyncadd.s32 $0xFFFFD800  }
0x135: {  	_ =	swait.ge [sflag:s7], $0x2800  }
0x136: {  	[sflag:s7] =	ssyncset.done $0x0  }
0x137: {  	[sflag:s7] =	ssyncadd.s32 $0xFFFFD800  }
0x138: {  	_ =	swait.ge [sflag:s7], $0x2800  }
0x139: {  	[sflag:s7] =	ssyncset.done $0x0  }
0x13a: {  	[sflag:s7] =	ssyncadd.s32 $0xFFFFD800  }
0x13b: {  	[hbm4b:s4+s2] =	stream.linear.scatter [tilespmem:s5], [sflag:$0x2], $0xA000, $0x38;
	[tilespmem:$0xA680] =	vst v63  }
0x13c: {  	_ =	swait.ge [sflag:s3], $0xA000  }
0x13d: {  	[sflag:s3] =	ssyncset.done $0x0  }
0x13e: {  	[sflag:s3] =	ssyncadd.s32 $0xFFFF6000  }
0x13f: {  	_ =	sfence.sel $0x180000  }
0x140: {  	[bflag:$0x0] =	sbarrier.arrive $0xFFFF  }
0x141: {  	_ =	strace $0x90000047  }
0x142: {  	[bflag:$0x2] =	sbarrier.arrive $0xFFFF  }
0x143: {  	p0 =	sne.s32 s0, $0x0;
	s0 =	rddreg [dreg:$0x2]  }
0x144: {  	s0 =	sadd.s32 @!p0 $0x100000, s0  }
0x145: {  	[sflag:s0] =	ssyncadd.tile.s32 @!p0 $0x1;
	_ =	shalt  }
.Lfunc_end2:
_tile_overlayer_lowered:
.L_overlay_start_2:
0x146: {  	(tag) =	ssettag $0x2  }
0x147: {  	s0 =	rddreg [dreg:$0x0];
	s2 =	stileid.u32  }
0x148: {  	s1 =	rddreg [dreg:$0x1];
	p0 =	sne.s32 s2, $0x0  }
0x149: {  	s3 =	rddreg [dreg:$0x2];
	[bflag:$0x3] =	sbarrier.arrive $0xFFFF;
	s2 =	simm.s32 @!p0 $0x1C02  }
0x14a: {  	[timem:s3], [sflag:s2] =	dma.local @!p0 [hbm:s0], s1  }
0x14b: {  	s0 =	simm.s32 @!p0 $0x2  }
0x14c: {  	_ =	swait.ge @!p0 [sflag:s0], s1  }
0x14d: {  	s1 =	ssub.s32 @!p0 $0x0, s1;
	[sflag:s0] =	ssyncset.done @!p0 $0x0  }
0x14e: {  	[sflag:s0] =	ssyncadd.s32 @!p0 s1  }
0x14f: {  	[bflag:$0x3] =	sbarrier.arrive $0xFFFF  }
0x150: {  	_ =	shalt  }

</sc_bundles>
